<compile_context>
chip_gen: v7x
topology: tpu7x:2x2x1
jax: 0.10.2.dev20260603
libtpu: 0.0.44.dev20260713+nightly
codegen_flags: <defaults>
</compile_context>

<pallas_src>
import functools

import jax
import jax.numpy as jnp
from jax import lax
from jax.experimental import pallas as pl
from jax.experimental.pallas import tpu as pltpu
from jax.experimental.pallas import tpu_sc as plsc

_BS = 128
_COPY = 64
_NW = 16
_RPW = _BS // _NW
_POOL_LEN = 32768


def _sc_gather(rpi, table, seq, tk1, st1):
    mesh = plsc.VectorSubcoreMesh(
        core_axis_name="c", subcore_axis_name="s", num_cores=1
    )

    @functools.partial(
        pl.kernel,
        out_type=jax.ShapeDtypeStruct((_BS * _COPY,), jnp.int32),
        mesh=mesh,
        compiler_params=pltpu.CompilerParams(
            needs_layout_passes=False, skip_device_barrier=True
        ),
        scratch_types=[
            pltpu.VMEM((_BS + 16,), jnp.int32),
            pltpu.VMEM((_BS + 16,), jnp.int32),
            pltpu.VMEM((16,), jnp.int32),
            pltpu.VMEM((_RPW, 2, 8, 128), jnp.int32),
            pltpu.VMEM((_RPW * _COPY,), jnp.int32),
            pltpu.SemaphoreType.DMA,
            pltpu.SemaphoreType.DMA((_RPW,)),
            pltpu.SemaphoreType.DMA,
        ],
    )
    def k(rpi_hbm, table_hbm, seq_hbm, tk_hbm, st_hbm, out_hbm,
          rpi_v, seq_v, sc_v, buf_v, out_v, sem, gsem, osem):
        wid = lax.axis_index("s") + lax.axis_index("c") * 16
        base = wid * _RPW
        c1 = pltpu.async_copy(rpi_hbm, rpi_v.at[pl.ds(0, _BS)], sem)
        c2 = pltpu.async_copy(seq_hbm, seq_v.at[pl.ds(0, _BS)], sem)
        c3 = pltpu.async_copy(tk_hbm, sc_v.at[pl.ds(0, 1)], sem)
        c4 = pltpu.async_copy(st_hbm, sc_v.at[pl.ds(8, 1)], sem)
        c1.wait()
        c2.wait()
        c3.wait()
        c4.wait()
        scal = sc_v[pl.ds(0, 16)]
        dep = scal[0] * scal[8] - jnp.int32(_COPY)
        rows16 = rpi_v[pl.ds(base, 16)]
        starts16 = seq_v[pl.ds(base, 16)] + dep
        copies = []
        tile2 = []
        need2s = []
        for q in range(_RPW):
            r8 = pl.multiple_of(rows16[q] & ~jnp.int32(7), 8)
            ph = starts16[q] & jnp.int32(127)
            ca = pl.multiple_of(starts16[q] - ph, 128)
            copies.append(
                pltpu.async_copy(
                    table_hbm.at[pl.ds(r8, 8), pl.ds(ca, 128)],
                    buf_v.at[q, 0],
                    gsem.at[q],
                )
            )
            need2 = ph > jnp.int32(128 - _COPY)
            need2s.append(need2)
            t2 = pltpu.make_async_copy(
                table_hbm.at[pl.ds(r8, 8), pl.ds(ca + 128, 128)],
                buf_v.at[q, 1],
                gsem.at[q],
            )
            tile2.append(t2)
            pl.when(need2)(t2.start)
        lanes = lax.iota(jnp.int32, 16)
        qv = jnp.zeros((16,), jnp.int32)
        out_base = wid * (_RPW * _COPY)
        outs = []
        for q in range(_RPW):
            copies[q].wait()
            pl.when(need2s[q])(tile2[q].wait)
            rv = jnp.full((16,), rows16[q] & jnp.int32(7), jnp.int32)
            phv = jnp.full((16,), starts16[q] & jnp.int32(127), jnp.int32) + lanes
            for j0 in range(0, _COPY, 16):
                lc = phv + j0
                out_v[pl.ds(q * _COPY + j0, 16)] = plsc.load_gather(
                    buf_v, [qv + q, lc >> 7, rv, lc & jnp.int32(127)]
                )
            outs.append(
                pltpu.async_copy(
                    out_v.at[pl.ds(q * _COPY, _COPY)],
                    out_hbm.at[pl.ds(out_base + q * _COPY, _COPY)],
                    osem,
                )
            )
        for o in outs:
            o.wait()

    return k(rpi, table, seq, tk1, st1)


def kernel(req_pool_indices, req_to_token, seq_lens, topk, speculative_num_steps):
    tk1 = jnp.reshape(jnp.asarray(topk, jnp.int32), (1,))
    st1 = jnp.reshape(jnp.asarray(speculative_num_steps, jnp.int32), (1,))
    return _sc_gather(
        req_pool_indices.astype(jnp.int32),
        req_to_token.astype(jnp.int32),
        seq_lens.astype(jnp.int32),
        tk1,
        st1,
    )

# --- scband reference (transcript-rebuilt; emitter-appended) ---
"""Pipeline reference for scband-model-87333864997430 (READ-ONLY COPY).

The authoritative reference and input builder live on the scoring server;
editing this copy changes nothing except your own understanding.
"""

import jax, jax.numpy as jnp
import numpy as np


def setup_inputs(seed: int = 0) -> dict:
    key = jax.random.key(seed)
    k1, k2, k3 = jax.random.split(key, 3)
    bs = 128
    pool_rows = 512
    pool_len = 32768
    topk = 8
    speculative_num_steps = 8
    copy_len = topk * speculative_num_steps
    req_pool_indices = jax.random.randint(k1, (bs,), 0, pool_rows, dtype=jnp.int64)
    req_to_token = jax.random.randint(k2, (pool_rows, pool_len), 0, 1000000, dtype=jnp.int64)
    # seq_lens bounded so kv_start + copy_len <= pool_len
    seq_lens = jax.random.randint(k3, (bs,), 0, pool_len - copy_len, dtype=jnp.int64)
    return {
        "req_pool_indices": req_pool_indices,
        "req_to_token": req_to_token,
        "seq_lens": seq_lens,
        "topk": topk,
        "speculative_num_steps": speculative_num_steps,
    }


def reference(req_pool_indices, req_to_token, seq_lens, topk, speculative_num_steps):
    # For each request pid:
    #   out[pid, :] = req_to_token[req_pool_indices[pid], seq_lens[pid] : seq_lens[pid] + topk*steps]
    copy_len = 8 * 8
    rows = jnp.take(req_to_token, req_pool_indices, axis=0)  # [bs, pool_len] gather of pool rows
    dep = jnp.asarray(topk * speculative_num_steps - copy_len).astype(seq_lens.dtype)
    offsets = seq_lens[:, None] + jnp.arange(copy_len, dtype=seq_lens.dtype)[None, :] + dep  # [bs, copy_len]
    out = jnp.take_along_axis(rows, offsets, axis=1)  # [bs, copy_len]
    return out.reshape(-1)  # [bs * topk * speculative_num_steps]

if __name__ == "__main__":
    import jax
    _d = setup_inputs()
    print(jax.jit(kernel)(*tuple(_d.values())))

</pallas_src>

<mosaic_0001>
#map = affine_map<(d0, d1) -> (0)>
#map1 = affine_map<(d0, d1) -> (0, 0)>
module attributes {stable_mosaic.version = 14 : i64} {
  func.func @k(%arg0: i32, %arg1: i32, %arg2: memref<128xi32, #tpu.memory_space<hbm>>, %arg3: memref<512x32768xi32, #tpu.memory_space<hbm>>, %arg4: memref<128xi32, #tpu.memory_space<hbm>>, %arg5: memref<1xi32, #tpu.memory_space<hbm>>, %arg6: memref<1xi32, #tpu.memory_space<hbm>>, %arg7: memref<8192xi32, #tpu.memory_space<hbm>>, %arg8: memref<144xi32, #tpu.memory_space<vmem>>, %arg9: memref<144xi32, #tpu.memory_space<vmem>>, %arg10: memref<16xi32, #tpu.memory_space<vmem>>, %arg11: memref<8x2x8x128xi32, #tpu.memory_space<vmem>>, %arg12: memref<512xi32, #tpu.memory_space<vmem>>, %arg13: memref<!tpu.dma_semaphore, #tpu.memory_space<semaphore_mem>>, %arg14: memref<8x!tpu.dma_semaphore, #tpu.memory_space<semaphore_mem>>, %arg15: memref<!tpu.dma_semaphore, #tpu.memory_space<semaphore_mem>>) attributes {dimension_semantics = [#tpu.dimension_semantics<core_parallel>, #tpu.dimension_semantics<subcore_parallel>], iteration_bounds = array<i64: 1, 16>, scalar_prefetch = 0 : i64, scratch_operands = 8 : i64, tpu.core_type = #tpu.core_type<sc_vector_subcore>, window_params = [{transform_indices = #map}, {transform_indices = #map1}, {transform_indices = #map}, {transform_indices = #map}, {transform_indices = #map}, {transform_indices = #map}]} {
    %mul3A = arith.constant 16 : i32
    %mul3A_0 = arith.muli %arg0, %mul3A : i32
    %add3A = arith.addi %arg1, %mul3A_0 : i32
    %mul3A_1 = arith.constant 8 : i32
    %mul3A_2 = arith.muli %add3A, %mul3A_1 : i32
    %dma_start3A = arith.constant 0 : i32
    %dma_start3A_3 = tpu.memref_slice %arg8[%dma_start3A] : memref<144xi32, #tpu.memory_space<vmem>> -> memref<128xi32, #tpu.memory_space<vmem>>
    %dma_start3A_4 = arith.constant 0 : i32
    %dma_start3A_5 = tpu.memref_slice %arg8[%dma_start3A_4] : memref<144xi32, #tpu.memory_space<vmem>> -> memref<128xi32, #tpu.memory_space<vmem>>
    tpu.enqueue_dma source(%arg2 : memref<128xi32, #tpu.memory_space<hbm>>) target(%dma_start3A_5 : memref<128xi32, #tpu.memory_space<vmem>>) target_semaphore(%arg13 : memref<!tpu.dma_semaphore, #tpu.memory_space<semaphore_mem>>)
    %dma_start3A_6 = arith.constant 0 : i32
    %dma_start3A_7 = tpu.memref_slice %arg9[%dma_start3A_6] : memref<144xi32, #tpu.memory_space<vmem>> -> memref<128xi32, #tpu.memory_space<vmem>>
    %dma_start3A_8 = arith.constant 0 : i32
    %dma_start3A_9 = tpu.memref_slice %arg9[%dma_start3A_8] : memref<144xi32, #tpu.memory_space<vmem>> -> memref<128xi32, #tpu.memory_space<vmem>>
    tpu.enqueue_dma source(%arg4 : memref<128xi32, #tpu.memory_space<hbm>>) target(%dma_start3A_9 : memref<128xi32, #tpu.memory_space<vmem>>) target_semaphore(%arg13 : memref<!tpu.dma_semaphore, #tpu.memory_space<semaphore_mem>>)
    %dma_start3A_10 = arith.constant 0 : i32
    %dma_start3A_11 = tpu.memref_slice %arg10[%dma_start3A_10] : memref<16xi32, #tpu.memory_space<vmem>> -> memref<1xi32, #tpu.memory_space<vmem>>
    %dma_start3A_12 = arith.constant 0 : i32
    %dma_start3A_13 = tpu.memref_slice %arg10[%dma_start3A_12] : memref<16xi32, #tpu.memory_space<vmem>> -> memref<1xi32, #tpu.memory_space<vmem>>
    tpu.enqueue_dma source(%arg5 : memref<1xi32, #tpu.memory_space<hbm>>) target(%dma_start3A_13 : memref<1xi32, #tpu.memory_space<vmem>>) target_semaphore(%arg13 : memref<!tpu.dma_semaphore, #tpu.memory_space<semaphore_mem>>)
    %dma_start3A_14 = arith.constant 8 : i32
    %dma_start3A_15 = tpu.memref_slice %arg10[%dma_start3A_14] : memref<16xi32, #tpu.memory_space<vmem>> -> memref<1xi32, #tpu.memory_space<vmem>>
    %dma_start3A_16 = arith.constant 8 : i32
    %dma_start3A_17 = tpu.memref_slice %arg10[%dma_start3A_16] : memref<16xi32, #tpu.memory_space<vmem>> -> memref<1xi32, #tpu.memory_space<vmem>>
    tpu.enqueue_dma source(%arg6 : memref<1xi32, #tpu.memory_space<hbm>>) target(%dma_start3A_17 : memref<1xi32, #tpu.memory_space<vmem>>) target_semaphore(%arg13 : memref<!tpu.dma_semaphore, #tpu.memory_space<semaphore_mem>>)
    %dma_wait3A = arith.constant 0 : i32
    %dma_wait3A_18 = tpu.memref_slice %arg8[%dma_wait3A] : memref<144xi32, #tpu.memory_space<vmem>> -> memref<128xi32, #tpu.memory_space<vmem>>
    %dma_wait3A_19 = arith.constant 0 : i32
    %dma_wait3A_20 = tpu.memref_slice %arg8[%dma_wait3A_19] : memref<144xi32, #tpu.memory_space<vmem>> -> memref<128xi32, #tpu.memory_space<vmem>>
    tpu.wait_dma2 semaphore(%arg13 : memref<!tpu.dma_semaphore, #tpu.memory_space<semaphore_mem>>) src(%arg2 : memref<128xi32, #tpu.memory_space<hbm>>) dst(%dma_wait3A_20 : memref<128xi32, #tpu.memory_space<vmem>>)
    %dma_wait3A_21 = arith.constant 0 : i32
    %dma_wait3A_22 = tpu.memref_slice %arg9[%dma_wait3A_21] : memref<144xi32, #tpu.memory_space<vmem>> -> memref<128xi32, #tpu.memory_space<vmem>>
    %dma_wait3A_23 = arith.constant 0 : i32
    %dma_wait3A_24 = tpu.memref_slice %arg9[%dma_wait3A_23] : memref<144xi32, #tpu.memory_space<vmem>> -> memref<128xi32, #tpu.memory_space<vmem>>
    tpu.wait_dma2 semaphore(%arg13 : memref<!tpu.dma_semaphore, #tpu.memory_space<semaphore_mem>>) src(%arg4 : memref<128xi32, #tpu.memory_space<hbm>>) dst(%dma_wait3A_24 : memref<128xi32, #tpu.memory_space<vmem>>)
    %dma_wait3A_25 = arith.constant 0 : i32
    %dma_wait3A_26 = tpu.memref_slice %arg10[%dma_wait3A_25] : memref<16xi32, #tpu.memory_space<vmem>> -> memref<1xi32, #tpu.memory_space<vmem>>
    %dma_wait3A_27 = arith.constant 0 : i32
    %dma_wait3A_28 = tpu.memref_slice %arg10[%dma_wait3A_27] : memref<16xi32, #tpu.memory_space<vmem>> -> memref<1xi32, #tpu.memory_space<vmem>>
    tpu.wait_dma2 semaphore(%arg13 : memref<!tpu.dma_semaphore, #tpu.memory_space<semaphore_mem>>) src(%arg5 : memref<1xi32, #tpu.memory_space<hbm>>) dst(%dma_wait3A_28 : memref<1xi32, #tpu.memory_space<vmem>>)
    %dma_wait3A_29 = arith.constant 8 : i32
    %dma_wait3A_30 = tpu.memref_slice %arg10[%dma_wait3A_29] : memref<16xi32, #tpu.memory_space<vmem>> -> memref<1xi32, #tpu.memory_space<vmem>>
    %dma_wait3A_31 = arith.constant 8 : i32
    %dma_wait3A_32 = tpu.memref_slice %arg10[%dma_wait3A_31] : memref<16xi32, #tpu.memory_space<vmem>> -> memref<1xi32, #tpu.memory_space<vmem>>
    tpu.wait_dma2 semaphore(%arg13 : memref<!tpu.dma_semaphore, #tpu.memory_space<semaphore_mem>>) src(%arg6 : memref<1xi32, #tpu.memory_space<hbm>>) dst(%dma_wait3A_32 : memref<1xi32, #tpu.memory_space<vmem>>)
    %get3A = arith.constant 0 : index
    %get3A_33 = tpu.vector_load %arg10[%get3A] {strides = array<i32>} : memref<16xi32, #tpu.memory_space<vmem>>, vector<16xi32>,
    %slice3A = vector.extract_strided_slice %get3A_33 {offsets = [0], sizes = [1], strides = [1]} : vector<16xi32> to vector<1xi32>
    %squeeze3A = vector.extract %slice3A[0] : i32 from vector<1xi32>
    %slice3A_34 = vector.extract_strided_slice %get3A_33 {offsets = [8], sizes = [1], strides = [1]} : vector<16xi32> to vector<1xi32>
    %squeeze3A_35 = vector.extract %slice3A_34[0] : i32 from vector<1xi32>
    %mul3A_36 = arith.muli %squeeze3A, %squeeze3A_35 : i32
    %sub3A = arith.constant 64 : i32
    %sub3A_37 = arith.subi %mul3A_36, %sub3A : i32
    %get3A_38 = arith.index_cast %mul3A_2 : i32 to index
    %get3A_39 = tpu.vector_load %arg8[%get3A_38] {strides = array<i32>} : memref<144xi32, #tpu.memory_space<vmem>>, vector<16xi32>,
    %get3A_40 = arith.index_cast %mul3A_2 : i32 to index
    %get3A_41 = tpu.vector_load %arg9[%get3A_40] {strides = array<i32>} : memref<144xi32, #tpu.memory_space<vmem>>, vector<16xi32>,
    %add3A_42 = vector.broadcast %sub3A_37 : i32 to vector<16xi32>
    %add3A_43 = arith.addi %get3A_41, %add3A_42 : vector<16xi32>
    %slice3A_44 = vector.extract_strided_slice %get3A_39 {offsets = [0], sizes = [1], strides = [1]} : vector<16xi32> to vector<1xi32>
    %squeeze3A_45 = vector.extract %slice3A_44[0] : i32 from vector<1xi32>
    %not3A = arith.constant 7 : i32
    %not3A_46 = arith.constant -1 : i32
    %not3A_47 = arith.xori %not3A, %not3A_46 : i32
    %and3A = arith.andi %squeeze3A_45, %not3A_47 : i32
    %multiple_of3A = tpu.assume_multiple %and3A, 8 : i32
    %slice3A_48 = vector.extract_strided_slice %add3A_43 {offsets = [0], sizes = [1], strides = [1]} : vector<16xi32> to vector<1xi32>
    %squeeze3A_49 = vector.extract %slice3A_48[0] : i32 from vector<1xi32>
    %and3A_50 = arith.constant 127 : i32
    %and3A_51 = arith.andi %squeeze3A_49, %and3A_50 : i32
    %slice3A_52 = vector.extract_strided_slice %add3A_43 {offsets = [0], sizes = [1], strides = [1]} : vector<16xi32> to vector<1xi32>
    %squeeze3A_53 = vector.extract %slice3A_52[0] : i32 from vector<1xi32>
    %sub3A_54 = arith.subi %squeeze3A_53, %and3A_51 : i32
    %multiple_of3A_55 = tpu.assume_multiple %sub3A_54, 128 : i32
    %dma_start3A_56 = arith.constant 0 : i32
    %dma_start3A_57 = arith.constant 0 : i32
    %dma_start3A_58 = arith.constant 0 : i32
    %dma_start3A_59 = arith.constant 0 : i32
    %dma_start3A_60 = arith.constant 0 : i32
    %dma_start3A_61 = tpu.memref_slice %arg11[%dma_start3A_56, %dma_start3A_57, %dma_start3A_59, %dma_start3A_60] : memref<8x2x8x128xi32, #tpu.memory_space<vmem>> -> memref<1x1x8x128xi32, #tpu.memory_space<vmem>>
    %dma_start3A_62 = tpu.memref_squeeze %dma_start3A_61 : memref<1x1x8x128xi32, #tpu.memory_space<vmem>> -> memref<8x128xi32, #tpu.memory_space<vmem>>
    %dma_start3A_63 = tpu.memref_slice %arg3[%multiple_of3A, %multiple_of3A_55] : memref<512x32768xi32, #tpu.memory_space<hbm>> -> memref<8x128xi32, #tpu.memory_space<hbm>>
    %dma_start3A_64 = tpu.memref_slice %arg14[%dma_start3A_58] : memref<8x!tpu.dma_semaphore, #tpu.memory_space<semaphore_mem>> -> memref<1x!tpu.dma_semaphore, #tpu.memory_space<semaphore_mem>>
    %dma_start3A_65 = tpu.memref_squeeze %dma_start3A_64 : memref<1x!tpu.dma_semaphore, #tpu.memory_space<semaphore_mem>> -> memref<!tpu.dma_semaphore, #tpu.memory_space<semaphore_mem>>
    %dma_start3A_66 = arith.constant 0 : i32
    %dma_start3A_67 = arith.constant 0 : i32
    %dma_start3A_68 = tpu.memref_slice %arg11[%dma_start3A_56, %dma_start3A_57, %dma_start3A_66, %dma_start3A_67] : memref<8x2x8x128xi32, #tpu.memory_space<vmem>> -> memref<1x1x8x128xi32, #tpu.memory_space<vmem>>
    %dma_start3A_69 = tpu.memref_squeeze %dma_start3A_68 : memref<1x1x8x128xi32, #tpu.memory_space<vmem>> -> memref<8x128xi32, #tpu.memory_space<vmem>>
    %dma_start3A_70 = tpu.memref_slice %arg3[%multiple_of3A, %multiple_of3A_55] : memref<512x32768xi32, #tpu.memory_space<hbm>> -> memref<8x128xi32, #tpu.memory_space<hbm>>
    tpu.enqueue_dma source(%dma_start3A_70 : memref<8x128xi32, #tpu.memory_space<hbm>>) target(%dma_start3A_69 : memref<8x128xi32, #tpu.memory_space<vmem>>) target_semaphore(%dma_start3A_65 : memref<!tpu.dma_semaphore, #tpu.memory_space<semaphore_mem>>)
    %gt3A = arith.constant 64 : i32
    %gt3A_71 = arith.cmpi sgt, %and3A_51, %gt3A : i32
    %add3A_72 = arith.constant 128 : i32
    %add3A_73 = arith.addi %multiple_of3A_55, %add3A_72 : i32
    %convert_element_type3A = arith.extui %gt3A_71 : i1 to i32
    %cond3A = arith.constant 0 : i32
    %cond3A_74 = arith.constant 1 : i32
    %cond3A_75 = arith.constant 0 : i32
    %cond3A_76 = arith.constant 0 : i32
    %cond3A_77 = arith.cmpi ne, %convert_element_type3A, %cond3A_76 : i32
    scf.if %cond3A_77 {
      %dma_start3A_1206 = arith.constant 0 : i32
      %dma_start3A_1207 = arith.constant 0 : i32
      %dma_start3A_1208 = tpu.memref_slice %arg11[%cond3A, %cond3A_74, %dma_start3A_1206, %dma_start3A_1207] : memref<8x2x8x128xi32, #tpu.memory_space<vmem>> -> memref<1x1x8x128xi32, #tpu.memory_space<vmem>>
      %dma_start3A_1209 = tpu.memref_squeeze %dma_start3A_1208 : memref<1x1x8x128xi32, #tpu.memory_space<vmem>> -> memref<8x128xi32, #tpu.memory_space<vmem>>
      %dma_start3A_1210 = tpu.memref_slice %arg3[%multiple_of3A, %add3A_73] : memref<512x32768xi32, #tpu.memory_space<hbm>> -> memref<8x128xi32, #tpu.memory_space<hbm>>
      %dma_start3A_1211 = tpu.memref_slice %arg14[%cond3A_75] : memref<8x!tpu.dma_semaphore, #tpu.memory_space<semaphore_mem>> -> memref<1x!tpu.dma_semaphore, #tpu.memory_space<semaphore_mem>>
      %dma_start3A_1212 = tpu.memref_squeeze %dma_start3A_1211 : memref<1x!tpu.dma_semaphore, #tpu.memory_space<semaphore_mem>> -> memref<!tpu.dma_semaphore, #tpu.memory_space<semaphore_mem>>
      %dma_start3A_1213 = arith.constant 0 : i32
      %dma_start3A_1214 = arith.constant 0 : i32
      %dma_start3A_1215 = tpu.memref_slice %arg11[%cond3A, %cond3A_74, %dma_start3A_1213, %dma_start3A_1214] : memref<8x2x8x128xi32, #tpu.memory_space<vmem>> -> memref<1x1x8x128xi32, #tpu.memory_space<vmem>>
      %dma_start3A_1216 = tpu.memref_squeeze %dma_start3A_1215 : memref<1x1x8x128xi32, #tpu.memory_space<vmem>> -> memref<8x128xi32, #tpu.memory_space<vmem>>
      %dma_start3A_1217 = tpu.memref_slice %arg3[%multiple_of3A, %add3A_73] : memref<512x32768xi32, #tpu.memory_space<hbm>> -> memref<8x128xi32, #tpu.memory_space<hbm>>
      tpu.enqueue_dma source(%dma_start3A_1217 : memref<8x128xi32, #tpu.memory_space<hbm>>) target(%dma_start3A_1216 : memref<8x128xi32, #tpu.memory_space<vmem>>) target_semaphore(%dma_start3A_1212 : memref<!tpu.dma_semaphore, #tpu.memory_space<semaphore_mem>>)
    } else {
    }
    %slice3A_78 = vector.extract_strided_slice %get3A_39 {offsets = [1], sizes = [1], strides = [1]} : vector<16xi32> to vector<1xi32>
    %squeeze3A_79 = vector.extract %slice3A_78[0] : i32 from vector<1xi32>
    %not3A_80 = arith.constant 7 : i32
    %not3A_81 = arith.constant -1 : i32
    %not3A_82 = arith.xori %not3A_80, %not3A_81 : i32
    %and3A_83 = arith.andi %squeeze3A_79, %not3A_82 : i32
    %multiple_of3A_84 = tpu.assume_multiple %and3A_83, 8 : i32
    %slice3A_85 = vector.extract_strided_slice %add3A_43 {offsets = [1], sizes = [1], strides = [1]} : vector<16xi32> to vector<1xi32>
    %squeeze3A_86 = vector.extract %slice3A_85[0] : i32 from vector<1xi32>
    %and3A_87 = arith.constant 127 : i32
    %and3A_88 = arith.andi %squeeze3A_86, %and3A_87 : i32
    %slice3A_89 = vector.extract_strided_slice %add3A_43 {offsets = [1], sizes = [1], strides = [1]} : vector<16xi32> to vector<1xi32>
    %squeeze3A_90 = vector.extract %slice3A_89[0] : i32 from vector<1xi32>
    %sub3A_91 = arith.subi %squeeze3A_90, %and3A_88 : i32
    %multiple_of3A_92 = tpu.assume_multiple %sub3A_91, 128 : i32
    %dma_start3A_93 = arith.constant 1 : i32
    %dma_start3A_94 = arith.constant 0 : i32
    %dma_start3A_95 = arith.constant 1 : i32
    %dma_start3A_96 = arith.constant 0 : i32
    %dma_start3A_97 = arith.constant 0 : i32
    %dma_start3A_98 = tpu.memref_slice %arg11[%dma_start3A_93, %dma_start3A_94, %dma_start3A_96, %dma_start3A_97] : memref<8x2x8x128xi32, #tpu.memory_space<vmem>> -> memref<1x1x8x128xi32, #tpu.memory_space<vmem>>
    %dma_start3A_99 = tpu.memref_squeeze %dma_start3A_98 : memref<1x1x8x128xi32, #tpu.memory_space<vmem>> -> memref<8x128xi32, #tpu.memory_space<vmem>>
    %dma_start3A_100 = tpu.memref_slice %arg3[%multiple_of3A_84, %multiple_of3A_92] : memref<512x32768xi32, #tpu.memory_space<hbm>> -> memref<8x128xi32, #tpu.memory_space<hbm>>
    %dma_start3A_101 = tpu.memref_slice %arg14[%dma_start3A_95] : memref<8x!tpu.dma_semaphore, #tpu.memory_space<semaphore_mem>> -> memref<1x!tpu.dma_semaphore, #tpu.memory_space<semaphore_mem>>
    %dma_start3A_102 = tpu.memref_squeeze %dma_start3A_101 : memref<1x!tpu.dma_semaphore, #tpu.memory_space<semaphore_mem>> -> memref<!tpu.dma_semaphore, #tpu.memory_space<semaphore_mem>>
    %dma_start3A_103 = arith.constant 0 : i32
    %dma_start3A_104 = arith.constant 0 : i32
    %dma_start3A_105 = tpu.memref_slice %arg11[%dma_start3A_93, %dma_start3A_94, %dma_start3A_103, %dma_start3A_104] : memref<8x2x8x128xi32, #tpu.memory_space<vmem>> -> memref<1x1x8x128xi32, #tpu.memory_space<vmem>>
    %dma_start3A_106 = tpu.memref_squeeze %dma_start3A_105 : memref<1x1x8x128xi32, #tpu.memory_space<vmem>> -> memref<8x128xi32, #tpu.memory_space<vmem>>
    %dma_start3A_107 = tpu.memref_slice %arg3[%multiple_of3A_84, %multiple_of3A_92] : memref<512x32768xi32, #tpu.memory_space<hbm>> -> memref<8x128xi32, #tpu.memory_space<hbm>>
    tpu.enqueue_dma source(%dma_start3A_107 : memref<8x128xi32, #tpu.memory_space<hbm>>) target(%dma_start3A_106 : memref<8x128xi32, #tpu.memory_space<vmem>>) target_semaphore(%dma_start3A_102 : memref<!tpu.dma_semaphore, #tpu.memory_space<semaphore_mem>>)
    %gt3A_108 = arith.constant 64 : i32
    %gt3A_109 = arith.cmpi sgt, %and3A_88, %gt3A_108 : i32
    %add3A_110 = arith.constant 128 : i32
    %add3A_111 = arith.addi %multiple_of3A_92, %add3A_110 : i32
    %convert_element_type3A_112 = arith.extui %gt3A_109 : i1 to i32
    %cond3A_113 = arith.constant 1 : i32
    %cond3A_114 = arith.constant 1 : i32
    %cond3A_115 = arith.constant 1 : i32
    %cond3A_116 = arith.constant 0 : i32
    %cond3A_117 = arith.cmpi ne, %convert_element_type3A_112, %cond3A_116 : i32
    scf.if %cond3A_117 {
      %dma_start3A_1206 = arith.constant 0 : i32
      %dma_start3A_1207 = arith.constant 0 : i32
      %dma_start3A_1208 = tpu.memref_slice %arg11[%cond3A_113, %cond3A_114, %dma_start3A_1206, %dma_start3A_1207] : memref<8x2x8x128xi32, #tpu.memory_space<vmem>> -> memref<1x1x8x128xi32, #tpu.memory_space<vmem>>
      %dma_start3A_1209 = tpu.memref_squeeze %dma_start3A_1208 : memref<1x1x8x128xi32, #tpu.memory_space<vmem>> -> memref<8x128xi32, #tpu.memory_space<vmem>>
      %dma_start3A_1210 = tpu.memref_slice %arg3[%multiple_of3A_84, %add3A_111] : memref<512x32768xi32, #tpu.memory_space<hbm>> -> memref<8x128xi32, #tpu.memory_space<hbm>>
      %dma_start3A_1211 = tpu.memref_slice %arg14[%cond3A_115] : memref<8x!tpu.dma_semaphore, #tpu.memory_space<semaphore_mem>> -> memref<1x!tpu.dma_semaphore, #tpu.memory_space<semaphore_mem>>
      %dma_start3A_1212 = tpu.memref_squeeze %dma_start3A_1211 : memref<1x!tpu.dma_semaphore, #tpu.memory_space<semaphore_mem>> -> memref<!tpu.dma_semaphore, #tpu.memory_space<semaphore_mem>>
      %dma_start3A_1213 = arith.constant 0 : i32
      %dma_start3A_1214 = arith.constant 0 : i32
      %dma_start3A_1215 = tpu.memref_slice %arg11[%cond3A_113, %cond3A_114, %dma_start3A_1213, %dma_start3A_1214] : memref<8x2x8x128xi32, #tpu.memory_space<vmem>> -> memref<1x1x8x128xi32, #tpu.memory_space<vmem>>
      %dma_start3A_1216 = tpu.memref_squeeze %dma_start3A_1215 : memref<1x1x8x128xi32, #tpu.memory_space<vmem>> -> memref<8x128xi32, #tpu.memory_space<vmem>>
      %dma_start3A_1217 = tpu.memref_slice %arg3[%multiple_of3A_84, %add3A_111] : memref<512x32768xi32, #tpu.memory_space<hbm>> -> memref<8x128xi32, #tpu.memory_space<hbm>>
      tpu.enqueue_dma source(%dma_start3A_1217 : memref<8x128xi32, #tpu.memory_space<hbm>>) target(%dma_start3A_1216 : memref<8x128xi32, #tpu.memory_space<vmem>>) target_semaphore(%dma_start3A_1212 : memref<!tpu.dma_semaphore, #tpu.memory_space<semaphore_mem>>)
    } else {
    }
    %slice3A_118 = vector.extract_strided_slice %get3A_39 {offsets = [2], sizes = [1], strides = [1]} : vector<16xi32> to vector<1xi32>
    %squeeze3A_119 = vector.extract %slice3A_118[0] : i32 from vector<1xi32>
    %not3A_120 = arith.constant 7 : i32
    %not3A_121 = arith.constant -1 : i32
    %not3A_122 = arith.xori %not3A_120, %not3A_121 : i32
    %and3A_123 = arith.andi %squeeze3A_119, %not3A_122 : i32
    %multiple_of3A_124 = tpu.assume_multiple %and3A_123, 8 : i32
    %slice3A_125 = vector.extract_strided_slice %add3A_43 {offsets = [2], sizes = [1], strides = [1]} : vector<16xi32> to vector<1xi32>
    %squeeze3A_126 = vector.extract %slice3A_125[0] : i32 from vector<1xi32>
    %and3A_127 = arith.constant 127 : i32
    %and3A_128 = arith.andi %squeeze3A_126, %and3A_127 : i32
    %slice3A_129 = vector.extract_strided_slice %add3A_43 {offsets = [2], sizes = [1], strides = [1]} : vector<16xi32> to vector<1xi32>
    %squeeze3A_130 = vector.extract %slice3A_129[0] : i32 from vector<1xi32>
    %sub3A_131 = arith.subi %squeeze3A_130, %and3A_128 : i32
    %multiple_of3A_132 = tpu.assume_multiple %sub3A_131, 128 : i32
    %dma_start3A_133 = arith.constant 2 : i32
    %dma_start3A_134 = arith.constant 0 : i32
    %dma_start3A_135 = arith.constant 2 : i32
    %dma_start3A_136 = arith.constant 0 : i32
    %dma_start3A_137 = arith.constant 0 : i32
    %dma_start3A_138 = tpu.memref_slice %arg11[%dma_start3A_133, %dma_start3A_134, %dma_start3A_136, %dma_start3A_137] : memref<8x2x8x128xi32, #tpu.memory_space<vmem>> -> memref<1x1x8x128xi32, #tpu.memory_space<vmem>>
    %dma_start3A_139 = tpu.memref_squeeze %dma_start3A_138 : memref<1x1x8x128xi32, #tpu.memory_space<vmem>> -> memref<8x128xi32, #tpu.memory_space<vmem>>
    %dma_start3A_140 = tpu.memref_slice %arg3[%multiple_of3A_124, %multiple_of3A_132] : memref<512x32768xi32, #tpu.memory_space<hbm>> -> memref<8x128xi32, #tpu.memory_space<hbm>>
    %dma_start3A_141 = tpu.memref_slice %arg14[%dma_start3A_135] : memref<8x!tpu.dma_semaphore, #tpu.memory_space<semaphore_mem>> -> memref<1x!tpu.dma_semaphore, #tpu.memory_space<semaphore_mem>>
    %dma_start3A_142 = tpu.memref_squeeze %dma_start3A_141 : memref<1x!tpu.dma_semaphore, #tpu.memory_space<semaphore_mem>> -> memref<!tpu.dma_semaphore, #tpu.memory_space<semaphore_mem>>
    %dma_start3A_143 = arith.constant 0 : i32
    %dma_start3A_144 = arith.constant 0 : i32
    %dma_start3A_145 = tpu.memref_slice %arg11[%dma_start3A_133, %dma_start3A_134, %dma_start3A_143, %dma_start3A_144] : memref<8x2x8x128xi32, #tpu.memory_space<vmem>> -> memref<1x1x8x128xi32, #tpu.memory_space<vmem>>
    %dma_start3A_146 = tpu.memref_squeeze %dma_start3A_145 : memref<1x1x8x128xi32, #tpu.memory_space<vmem>> -> memref<8x128xi32, #tpu.memory_space<vmem>>
    %dma_start3A_147 = tpu.memref_slice %arg3[%multiple_of3A_124, %multiple_of3A_132] : memref<512x32768xi32, #tpu.memory_space<hbm>> -> memref<8x128xi32, #tpu.memory_space<hbm>>
    tpu.enqueue_dma source(%dma_start3A_147 : memref<8x128xi32, #tpu.memory_space<hbm>>) target(%dma_start3A_146 : memref<8x128xi32, #tpu.memory_space<vmem>>) target_semaphore(%dma_start3A_142 : memref<!tpu.dma_semaphore, #tpu.memory_space<semaphore_mem>>)
    %gt3A_148 = arith.constant 64 : i32
    %gt3A_149 = arith.cmpi sgt, %and3A_128, %gt3A_148 : i32
    %add3A_150 = arith.constant 128 : i32
    %add3A_151 = arith.addi %multiple_of3A_132, %add3A_150 : i32
    %convert_element_type3A_152 = arith.extui %gt3A_149 : i1 to i32
    %cond3A_153 = arith.constant 2 : i32
    %cond3A_154 = arith.constant 1 : i32
    %cond3A_155 = arith.constant 2 : i32
    %cond3A_156 = arith.constant 0 : i32
    %cond3A_157 = arith.cmpi ne, %convert_element_type3A_152, %cond3A_156 : i32
    scf.if %cond3A_157 {
      %dma_start3A_1206 = arith.constant 0 : i32
      %dma_start3A_1207 = arith.constant 0 : i32
      %dma_start3A_1208 = tpu.memref_slice %arg11[%cond3A_153, %cond3A_154, %dma_start3A_1206, %dma_start3A_1207] : memref<8x2x8x128xi32, #tpu.memory_space<vmem>> -> memref<1x1x8x128xi32, #tpu.memory_space<vmem>>
      %dma_start3A_1209 = tpu.memref_squeeze %dma_start3A_1208 : memref<1x1x8x128xi32, #tpu.memory_space<vmem>> -> memref<8x128xi32, #tpu.memory_space<vmem>>
      %dma_start3A_1210 = tpu.memref_slice %arg3[%multiple_of3A_124, %add3A_151] : memref<512x32768xi32, #tpu.memory_space<hbm>> -> memref<8x128xi32, #tpu.memory_space<hbm>>
      %dma_start3A_1211 = tpu.memref_slice %arg14[%cond3A_155] : memref<8x!tpu.dma_semaphore, #tpu.memory_space<semaphore_mem>> -> memref<1x!tpu.dma_semaphore, #tpu.memory_space<semaphore_mem>>
      %dma_start3A_1212 = tpu.memref_squeeze %dma_start3A_1211 : memref<1x!tpu.dma_semaphore, #tpu.memory_space<semaphore_mem>> -> memref<!tpu.dma_semaphore, #tpu.memory_space<semaphore_mem>>
      %dma_start3A_1213 = arith.constant 0 : i32
      %dma_start3A_1214 = arith.constant 0 : i32
      %dma_start3A_1215 = tpu.memref_slice %arg11[%cond3A_153, %cond3A_154, %dma_start3A_1213, %dma_start3A_1214] : memref<8x2x8x128xi32, #tpu.memory_space<vmem>> -> memref<1x1x8x128xi32, #tpu.memory_space<vmem>>
      %dma_start3A_1216 = tpu.memref_squeeze %dma_start3A_1215 : memref<1x1x8x128xi32, #tpu.memory_space<vmem>> -> memref<8x128xi32, #tpu.memory_space<vmem>>
      %dma_start3A_1217 = tpu.memref_slice %arg3[%multiple_of3A_124, %add3A_151] : memref<512x32768xi32, #tpu.memory_space<hbm>> -> memref<8x128xi32, #tpu.memory_space<hbm>>
      tpu.enqueue_dma source(%dma_start3A_1217 : memref<8x128xi32, #tpu.memory_space<hbm>>) target(%dma_start3A_1216 : memref<8x128xi32, #tpu.memory_space<vmem>>) target_semaphore(%dma_start3A_1212 : memref<!tpu.dma_semaphore, #tpu.memory_space<semaphore_mem>>)
    } else {
    }
    %slice3A_158 = vector.extract_strided_slice %get3A_39 {offsets = [3], sizes = [1], strides = [1]} : vector<16xi32> to vector<1xi32>
    %squeeze3A_159 = vector.extract %slice3A_158[0] : i32 from vector<1xi32>
    %not3A_160 = arith.constant 7 : i32
    %not3A_161 = arith.constant -1 : i32
    %not3A_162 = arith.xori %not3A_160, %not3A_161 : i32
    %and3A_163 = arith.andi %squeeze3A_159, %not3A_162 : i32
    %multiple_of3A_164 = tpu.assume_multiple %and3A_163, 8 : i32
    %slice3A_165 = vector.extract_strided_slice %add3A_43 {offsets = [3], sizes = [1], strides = [1]} : vector<16xi32> to vector<1xi32>
    %squeeze3A_166 = vector.extract %slice3A_165[0] : i32 from vector<1xi32>
    %and3A_167 = arith.constant 127 : i32
    %and3A_168 = arith.andi %squeeze3A_166, %and3A_167 : i32
    %slice3A_169 = vector.extract_strided_slice %add3A_43 {offsets = [3], sizes = [1], strides = [1]} : vector<16xi32> to vector<1xi32>
    %squeeze3A_170 = vector.extract %slice3A_169[0] : i32 from vector<1xi32>
    %sub3A_171 = arith.subi %squeeze3A_170, %and3A_168 : i32
    %multiple_of3A_172 = tpu.assume_multiple %sub3A_171, 128 : i32
    %dma_start3A_173 = arith.constant 3 : i32
    %dma_start3A_174 = arith.constant 0 : i32
    %dma_start3A_175 = arith.constant 3 : i32
    %dma_start3A_176 = arith.constant 0 : i32
    %dma_start3A_177 = arith.constant 0 : i32
    %dma_start3A_178 = tpu.memref_slice %arg11[%dma_start3A_173, %dma_start3A_174, %dma_start3A_176, %dma_start3A_177] : memref<8x2x8x128xi32, #tpu.memory_space<vmem>> -> memref<1x1x8x128xi32, #tpu.memory_space<vmem>>
    %dma_start3A_179 = tpu.memref_squeeze %dma_start3A_178 : memref<1x1x8x128xi32, #tpu.memory_space<vmem>> -> memref<8x128xi32, #tpu.memory_space<vmem>>
    %dma_start3A_180 = tpu.memref_slice %arg3[%multiple_of3A_164, %multiple_of3A_172] : memref<512x32768xi32, #tpu.memory_space<hbm>> -> memref<8x128xi32, #tpu.memory_space<hbm>>
    %dma_start3A_181 = tpu.memref_slice %arg14[%dma_start3A_175] : memref<8x!tpu.dma_semaphore, #tpu.memory_space<semaphore_mem>> -> memref<1x!tpu.dma_semaphore, #tpu.memory_space<semaphore_mem>>
    %dma_start3A_182 = tpu.memref_squeeze %dma_start3A_181 : memref<1x!tpu.dma_semaphore, #tpu.memory_space<semaphore_mem>> -> memref<!tpu.dma_semaphore, #tpu.memory_space<semaphore_mem>>
    %dma_start3A_183 = arith.constant 0 : i32
    %dma_start3A_184 = arith.constant 0 : i32
    %dma_start3A_185 = tpu.memref_slice %arg11[%dma_start3A_173, %dma_start3A_174, %dma_start3A_183, %dma_start3A_184] : memref<8x2x8x128xi32, #tpu.memory_space<vmem>> -> memref<1x1x8x128xi32, #tpu.memory_space<vmem>>
    %dma_start3A_186 = tpu.memref_squeeze %dma_start3A_185 : memref<1x1x8x128xi32, #tpu.memory_space<vmem>> -> memref<8x128xi32, #tpu.memory_space<vmem>>
    %dma_start3A_187 = tpu.memref_slice %arg3[%multiple_of3A_164, %multiple_of3A_172] : memref<512x32768xi32, #tpu.memory_space<hbm>> -> memref<8x128xi32, #tpu.memory_space<hbm>>
    tpu.enqueue_dma source(%dma_start3A_187 : memref<8x128xi32, #tpu.memory_space<hbm>>) target(%dma_start3A_186 : memref<8x128xi32, #tpu.memory_space<vmem>>) target_semaphore(%dma_start3A_182 : memref<!tpu.dma_semaphore, #tpu.memory_space<semaphore_mem>>)
    %gt3A_188 = arith.constant 64 : i32
    %gt3A_189 = arith.cmpi sgt, %and3A_168, %gt3A_188 : i32
    %add3A_190 = arith.constant 128 : i32
    %add3A_191 = arith.addi %multiple_of3A_172, %add3A_190 : i32
    %convert_element_type3A_192 = arith.extui %gt3A_189 : i1 to i32
    %cond3A_193 = arith.constant 3 : i32
    %cond3A_194 = arith.constant 1 : i32
    %cond3A_195 = arith.constant 3 : i32
    %cond3A_196 = arith.constant 0 : i32
    %cond3A_197 = arith.cmpi ne, %convert_element_type3A_192, %cond3A_196 : i32
    scf.if %cond3A_197 {
      %dma_start3A_1206 = arith.constant 0 : i32
      %dma_start3A_1207 = arith.constant 0 : i32
      %dma_start3A_1208 = tpu.memref_slice %arg11[%cond3A_193, %cond3A_194, %dma_start3A_1206, %dma_start3A_1207] : memref<8x2x8x128xi32, #tpu.memory_space<vmem>> -> memref<1x1x8x128xi32, #tpu.memory_space<vmem>>
      %dma_start3A_1209 = tpu.memref_squeeze %dma_start3A_1208 : memref<1x1x8x128xi32, #tpu.memory_space<vmem>> -> memref<8x128xi32, #tpu.memory_space<vmem>>
      %dma_start3A_1210 = tpu.memref_slice %arg3[%multiple_of3A_164, %add3A_191] : memref<512x32768xi32, #tpu.memory_space<hbm>> -> memref<8x128xi32, #tpu.memory_space<hbm>>
      %dma_start3A_1211 = tpu.memref_slice %arg14[%cond3A_195] : memref<8x!tpu.dma_semaphore, #tpu.memory_space<semaphore_mem>> -> memref<1x!tpu.dma_semaphore, #tpu.memory_space<semaphore_mem>>
      %dma_start3A_1212 = tpu.memref_squeeze %dma_start3A_1211 : memref<1x!tpu.dma_semaphore, #tpu.memory_space<semaphore_mem>> -> memref<!tpu.dma_semaphore, #tpu.memory_space<semaphore_mem>>
      %dma_start3A_1213 = arith.constant 0 : i32
      %dma_start3A_1214 = arith.constant 0 : i32
      %dma_start3A_1215 = tpu.memref_slice %arg11[%cond3A_193, %cond3A_194, %dma_start3A_1213, %dma_start3A_1214] : memref<8x2x8x128xi32, #tpu.memory_space<vmem>> -> memref<1x1x8x128xi32, #tpu.memory_space<vmem>>
      %dma_start3A_1216 = tpu.memref_squeeze %dma_start3A_1215 : memref<1x1x8x128xi32, #tpu.memory_space<vmem>> -> memref<8x128xi32, #tpu.memory_space<vmem>>
      %dma_start3A_1217 = tpu.memref_slice %arg3[%multiple_of3A_164, %add3A_191] : memref<512x32768xi32, #tpu.memory_space<hbm>> -> memref<8x128xi32, #tpu.memory_space<hbm>>
      tpu.enqueue_dma source(%dma_start3A_1217 : memref<8x128xi32, #tpu.memory_space<hbm>>) target(%dma_start3A_1216 : memref<8x128xi32, #tpu.memory_space<vmem>>) target_semaphore(%dma_start3A_1212 : memref<!tpu.dma_semaphore, #tpu.memory_space<semaphore_mem>>)
    } else {
    }
    %slice3A_198 = vector.extract_strided_slice %get3A_39 {offsets = [4], sizes = [1], strides = [1]} : vector<16xi32> to vector<1xi32>
    %squeeze3A_199 = vector.extract %slice3A_198[0] : i32 from vector<1xi32>
    %not3A_200 = arith.constant 7 : i32
    %not3A_201 = arith.constant -1 : i32
    %not3A_202 = arith.xori %not3A_200, %not3A_201 : i32
    %and3A_203 = arith.andi %squeeze3A_199, %not3A_202 : i32
    %multiple_of3A_204 = tpu.assume_multiple %and3A_203, 8 : i32
    %slice3A_205 = vector.extract_strided_slice %add3A_43 {offsets = [4], sizes = [1], strides = [1]} : vector<16xi32> to vector<1xi32>
    %squeeze3A_206 = vector.extract %slice3A_205[0] : i32 from vector<1xi32>
    %and3A_207 = arith.constant 127 : i32
    %and3A_208 = arith.andi %squeeze3A_206, %and3A_207 : i32
    %slice3A_209 = vector.extract_strided_slice %add3A_43 {offsets = [4], sizes = [1], strides = [1]} : vector<16xi32> to vector<1xi32>
    %squeeze3A_210 = vector.extract %slice3A_209[0] : i32 from vector<1xi32>
    %sub3A_211 = arith.subi %squeeze3A_210, %and3A_208 : i32
    %multiple_of3A_212 = tpu.assume_multiple %sub3A_211, 128 : i32
    %dma_start3A_213 = arith.constant 4 : i32
    %dma_start3A_214 = arith.constant 0 : i32
    %dma_start3A_215 = arith.constant 4 : i32
    %dma_start3A_216 = arith.constant 0 : i32
    %dma_start3A_217 = arith.constant 0 : i32
    %dma_start3A_218 = tpu.memref_slice %arg11[%dma_start3A_213, %dma_start3A_214, %dma_start3A_216, %dma_start3A_217] : memref<8x2x8x128xi32, #tpu.memory_space<vmem>> -> memref<1x1x8x128xi32, #tpu.memory_space<vmem>>
    %dma_start3A_219 = tpu.memref_squeeze %dma_start3A_218 : memref<1x1x8x128xi32, #tpu.memory_space<vmem>> -> memref<8x128xi32, #tpu.memory_space<vmem>>
    %dma_start3A_220 = tpu.memref_slice %arg3[%multiple_of3A_204, %multiple_of3A_212] : memref<512x32768xi32, #tpu.memory_space<hbm>> -> memref<8x128xi32, #tpu.memory_space<hbm>>
    %dma_start3A_221 = tpu.memref_slice %arg14[%dma_start3A_215] : memref<8x!tpu.dma_semaphore, #tpu.memory_space<semaphore_mem>> -> memref<1x!tpu.dma_semaphore, #tpu.memory_space<semaphore_mem>>
    %dma_start3A_222 = tpu.memref_squeeze %dma_start3A_221 : memref<1x!tpu.dma_semaphore, #tpu.memory_space<semaphore_mem>> -> memref<!tpu.dma_semaphore, #tpu.memory_space<semaphore_mem>>
    %dma_start3A_223 = arith.constant 0 : i32
    %dma_start3A_224 = arith.constant 0 : i32
    %dma_start3A_225 = tpu.memref_slice %arg11[%dma_start3A_213, %dma_start3A_214, %dma_start3A_223, %dma_start3A_224] : memref<8x2x8x128xi32, #tpu.memory_space<vmem>> -> memref<1x1x8x128xi32, #tpu.memory_space<vmem>>
    %dma_start3A_226 = tpu.memref_squeeze %dma_start3A_225 : memref<1x1x8x128xi32, #tpu.memory_space<vmem>> -> memref<8x128xi32, #tpu.memory_space<vmem>>
    %dma_start3A_227 = tpu.memref_slice %arg3[%multiple_of3A_204, %multiple_of3A_212] : memref<512x32768xi32, #tpu.memory_space<hbm>> -> memref<8x128xi32, #tpu.memory_space<hbm>>
    tpu.enqueue_dma source(%dma_start3A_227 : memref<8x128xi32, #tpu.memory_space<hbm>>) target(%dma_start3A_226 : memref<8x128xi32, #tpu.memory_space<vmem>>) target_semaphore(%dma_start3A_222 : memref<!tpu.dma_semaphore, #tpu.memory_space<semaphore_mem>>)
    %gt3A_228 = arith.constant 64 : i32
    %gt3A_229 = arith.cmpi sgt, %and3A_208, %gt3A_228 : i32
    %add3A_230 = arith.constant 128 : i32
    %add3A_231 = arith.addi %multiple_of3A_212, %add3A_230 : i32
    %convert_element_type3A_232 = arith.extui %gt3A_229 : i1 to i32
    %cond3A_233 = arith.constant 4 : i32
    %cond3A_234 = arith.constant 1 : i32
    %cond3A_235 = arith.constant 4 : i32
    %cond3A_236 = arith.constant 0 : i32
    %cond3A_237 = arith.cmpi ne, %convert_element_type3A_232, %cond3A_236 : i32
    scf.if %cond3A_237 {
      %dma_start3A_1206 = arith.constant 0 : i32
      %dma_start3A_1207 = arith.constant 0 : i32
      %dma_start3A_1208 = tpu.memref_slice %arg11[%cond3A_233, %cond3A_234, %dma_start3A_1206, %dma_start3A_1207] : memref<8x2x8x128xi32, #tpu.memory_space<vmem>> -> memref<1x1x8x128xi32, #tpu.memory_space<vmem>>
      %dma_start3A_1209 = tpu.memref_squeeze %dma_start3A_1208 : memref<1x1x8x128xi32, #tpu.memory_space<vmem>> -> memref<8x128xi32, #tpu.memory_space<vmem>>
      %dma_start3A_1210 = tpu.memref_slice %arg3[%multiple_of3A_204, %add3A_231] : memref<512x32768xi32, #tpu.memory_space<hbm>> -> memref<8x128xi32, #tpu.memory_space<hbm>>
      %dma_start3A_1211 = tpu.memref_slice %arg14[%cond3A_235] : memref<8x!tpu.dma_semaphore, #tpu.memory_space<semaphore_mem>> -> memref<1x!tpu.dma_semaphore, #tpu.memory_space<semaphore_mem>>
      %dma_start3A_1212 = tpu.memref_squeeze %dma_start3A_1211 : memref<1x!tpu.dma_semaphore, #tpu.memory_space<semaphore_mem>> -> memref<!tpu.dma_semaphore, #tpu.memory_space<semaphore_mem>>
      %dma_start3A_1213 = arith.constant 0 : i32
      %dma_start3A_1214 = arith.constant 0 : i32
      %dma_start3A_1215 = tpu.memref_slice %arg11[%cond3A_233, %cond3A_234, %dma_start3A_1213, %dma_start3A_1214] : memref<8x2x8x128xi32, #tpu.memory_space<vmem>> -> memref<1x1x8x128xi32, #tpu.memory_space<vmem>>
      %dma_start3A_1216 = tpu.memref_squeeze %dma_start3A_1215 : memref<1x1x8x128xi32, #tpu.memory_space<vmem>> -> memref<8x128xi32, #tpu.memory_space<vmem>>
      %dma_start3A_1217 = tpu.memref_slice %arg3[%multiple_of3A_204, %add3A_231] : memref<512x32768xi32, #tpu.memory_space<hbm>> -> memref<8x128xi32, #tpu.memory_space<hbm>>
      tpu.enqueue_dma source(%dma_start3A_1217 : memref<8x128xi32, #tpu.memory_space<hbm>>) target(%dma_start3A_1216 : memref<8x128xi32, #tpu.memory_space<vmem>>) target_semaphore(%dma_start3A_1212 : memref<!tpu.dma_semaphore, #tpu.memory_space<semaphore_mem>>)
    } else {
    }
    %slice3A_238 = vector.extract_strided_slice %get3A_39 {offsets = [5], sizes = [1], strides = [1]} : vector<16xi32> to vector<1xi32>
    %squeeze3A_239 = vector.extract %slice3A_238[0] : i32 from vector<1xi32>
    %not3A_240 = arith.constant 7 : i32
    %not3A_241 = arith.constant -1 : i32
    %not3A_242 = arith.xori %not3A_240, %not3A_241 : i32
    %and3A_243 = arith.andi %squeeze3A_239, %not3A_242 : i32
    %multiple_of3A_244 = tpu.assume_multiple %and3A_243, 8 : i32
    %slice3A_245 = vector.extract_strided_slice %add3A_43 {offsets = [5], sizes = [1], strides = [1]} : vector<16xi32> to vector<1xi32>
    %squeeze3A_246 = vector.extract %slice3A_245[0] : i32 from vector<1xi32>
    %and3A_247 = arith.constant 127 : i32
    %and3A_248 = arith.andi %squeeze3A_246, %and3A_247 : i32
    %slice3A_249 = vector.extract_strided_slice %add3A_43 {offsets = [5], sizes = [1], strides = [1]} : vector<16xi32> to vector<1xi32>
    %squeeze3A_250 = vector.extract %slice3A_249[0] : i32 from vector<1xi32>
    %sub3A_251 = arith.subi %squeeze3A_250, %and3A_248 : i32
    %multiple_of3A_252 = tpu.assume_multiple %sub3A_251, 128 : i32
    %dma_start3A_253 = arith.constant 5 : i32
    %dma_start3A_254 = arith.constant 0 : i32
    %dma_start3A_255 = arith.constant 5 : i32
    %dma_start3A_256 = arith.constant 0 : i32
    %dma_start3A_257 = arith.constant 0 : i32
    %dma_start3A_258 = tpu.memref_slice %arg11[%dma_start3A_253, %dma_start3A_254, %dma_start3A_256, %dma_start3A_257] : memref<8x2x8x128xi32, #tpu.memory_space<vmem>> -> memref<1x1x8x128xi32, #tpu.memory_space<vmem>>
    %dma_start3A_259 = tpu.memref_squeeze %dma_start3A_258 : memref<1x1x8x128xi32, #tpu.memory_space<vmem>> -> memref<8x128xi32, #tpu.memory_space<vmem>>
    %dma_start3A_260 = tpu.memref_slice %arg3[%multiple_of3A_244, %multiple_of3A_252] : memref<512x32768xi32, #tpu.memory_space<hbm>> -> memref<8x128xi32, #tpu.memory_space<hbm>>
    %dma_start3A_261 = tpu.memref_slice %arg14[%dma_start3A_255] : memref<8x!tpu.dma_semaphore, #tpu.memory_space<semaphore_mem>> -> memref<1x!tpu.dma_semaphore, #tpu.memory_space<semaphore_mem>>
    %dma_start3A_262 = tpu.memref_squeeze %dma_start3A_261 : memref<1x!tpu.dma_semaphore, #tpu.memory_space<semaphore_mem>> -> memref<!tpu.dma_semaphore, #tpu.memory_space<semaphore_mem>>
    %dma_start3A_263 = arith.constant 0 : i32
    %dma_start3A_264 = arith.constant 0 : i32
    %dma_start3A_265 = tpu.memref_slice %arg11[%dma_start3A_253, %dma_start3A_254, %dma_start3A_263, %dma_start3A_264] : memref<8x2x8x128xi32, #tpu.memory_space<vmem>> -> memref<1x1x8x128xi32, #tpu.memory_space<vmem>>
    %dma_start3A_266 = tpu.memref_squeeze %dma_start3A_265 : memref<1x1x8x128xi32, #tpu.memory_space<vmem>> -> memref<8x128xi32, #tpu.memory_space<vmem>>
    %dma_start3A_267 = tpu.memref_slice %arg3[%multiple_of3A_244, %multiple_of3A_252] : memref<512x32768xi32, #tpu.memory_space<hbm>> -> memref<8x128xi32, #tpu.memory_space<hbm>>
    tpu.enqueue_dma source(%dma_start3A_267 : memref<8x128xi32, #tpu.memory_space<hbm>>) target(%dma_start3A_266 : memref<8x128xi32, #tpu.memory_space<vmem>>) target_semaphore(%dma_start3A_262 : memref<!tpu.dma_semaphore, #tpu.memory_space<semaphore_mem>>)
    %gt3A_268 = arith.constant 64 : i32
    %gt3A_269 = arith.cmpi sgt, %and3A_248, %gt3A_268 : i32
    %add3A_270 = arith.constant 128 : i32
    %add3A_271 = arith.addi %multiple_of3A_252, %add3A_270 : i32
    %convert_element_type3A_272 = arith.extui %gt3A_269 : i1 to i32
    %cond3A_273 = arith.constant 5 : i32
    %cond3A_274 = arith.constant 1 : i32
    %cond3A_275 = arith.constant 5 : i32
    %cond3A_276 = arith.constant 0 : i32
    %cond3A_277 = arith.cmpi ne, %convert_element_type3A_272, %cond3A_276 : i32
    scf.if %cond3A_277 {
      %dma_start3A_1206 = arith.constant 0 : i32
      %dma_start3A_1207 = arith.constant 0 : i32
      %dma_start3A_1208 = tpu.memref_slice %arg11[%cond3A_273, %cond3A_274, %dma_start3A_1206, %dma_start3A_1207] : memref<8x2x8x128xi32, #tpu.memory_space<vmem>> -> memref<1x1x8x128xi32, #tpu.memory_space<vmem>>
      %dma_start3A_1209 = tpu.memref_squeeze %dma_start3A_1208 : memref<1x1x8x128xi32, #tpu.memory_space<vmem>> -> memref<8x128xi32, #tpu.memory_space<vmem>>
      %dma_start3A_1210 = tpu.memref_slice %arg3[%multiple_of3A_244, %add3A_271] : memref<512x32768xi32, #tpu.memory_space<hbm>> -> memref<8x128xi32, #tpu.memory_space<hbm>>
      %dma_start3A_1211 = tpu.memref_slice %arg14[%cond3A_275] : memref<8x!tpu.dma_semaphore, #tpu.memory_space<semaphore_mem>> -> memref<1x!tpu.dma_semaphore, #tpu.memory_space<semaphore_mem>>
      %dma_start3A_1212 = tpu.memref_squeeze %dma_start3A_1211 : memref<1x!tpu.dma_semaphore, #tpu.memory_space<semaphore_mem>> -> memref<!tpu.dma_semaphore, #tpu.memory_space<semaphore_mem>>
      %dma_start3A_1213 = arith.constant 0 : i32
      %dma_start3A_1214 = arith.constant 0 : i32
      %dma_start3A_1215 = tpu.memref_slice %arg11[%cond3A_273, %cond3A_274, %dma_start3A_1213, %dma_start3A_1214] : memref<8x2x8x128xi32, #tpu.memory_space<vmem>> -> memref<1x1x8x128xi32, #tpu.memory_space<vmem>>
      %dma_start3A_1216 = tpu.memref_squeeze %dma_start3A_1215 : memref<1x1x8x128xi32, #tpu.memory_space<vmem>> -> memref<8x128xi32, #tpu.memory_space<vmem>>
      %dma_start3A_1217 = tpu.memref_slice %arg3[%multiple_of3A_244, %add3A_271] : memref<512x32768xi32, #tpu.memory_space<hbm>> -> memref<8x128xi32, #tpu.memory_space<hbm>>
      tpu.enqueue_dma source(%dma_start3A_1217 : memref<8x128xi32, #tpu.memory_space<hbm>>) target(%dma_start3A_1216 : memref<8x128xi32, #tpu.memory_space<vmem>>) target_semaphore(%dma_start3A_1212 : memref<!tpu.dma_semaphore, #tpu.memory_space<semaphore_mem>>)
    } else {
    }
    %slice3A_278 = vector.extract_strided_slice %get3A_39 {offsets = [6], sizes = [1], strides = [1]} : vector<16xi32> to vector<1xi32>
    %squeeze3A_279 = vector.extract %slice3A_278[0] : i32 from vector<1xi32>
    %not3A_280 = arith.constant 7 : i32
    %not3A_281 = arith.constant -1 : i32
    %not3A_282 = arith.xori %not3A_280, %not3A_281 : i32
    %and3A_283 = arith.andi %squeeze3A_279, %not3A_282 : i32
    %multiple_of3A_284 = tpu.assume_multiple %and3A_283, 8 : i32
    %slice3A_285 = vector.extract_strided_slice %add3A_43 {offsets = [6], sizes = [1], strides = [1]} : vector<16xi32> to vector<1xi32>
    %squeeze3A_286 = vector.extract %slice3A_285[0] : i32 from vector<1xi32>
    %and3A_287 = arith.constant 127 : i32
    %and3A_288 = arith.andi %squeeze3A_286, %and3A_287 : i32
    %slice3A_289 = vector.extract_strided_slice %add3A_43 {offsets = [6], sizes = [1], strides = [1]} : vector<16xi32> to vector<1xi32>
    %squeeze3A_290 = vector.extract %slice3A_289[0] : i32 from vector<1xi32>
    %sub3A_291 = arith.subi %squeeze3A_290, %and3A_288 : i32
    %multiple_of3A_292 = tpu.assume_multiple %sub3A_291, 128 : i32
    %dma_start3A_293 = arith.constant 6 : i32
    %dma_start3A_294 = arith.constant 0 : i32
    %dma_start3A_295 = arith.constant 6 : i32
    %dma_start3A_296 = arith.constant 0 : i32
    %dma_start3A_297 = arith.constant 0 : i32
    %dma_start3A_298 = tpu.memref_slice %arg11[%dma_start3A_293, %dma_start3A_294, %dma_start3A_296, %dma_start3A_297] : memref<8x2x8x128xi32, #tpu.memory_space<vmem>> -> memref<1x1x8x128xi32, #tpu.memory_space<vmem>>
    %dma_start3A_299 = tpu.memref_squeeze %dma_start3A_298 : memref<1x1x8x128xi32, #tpu.memory_space<vmem>> -> memref<8x128xi32, #tpu.memory_space<vmem>>
    %dma_start3A_300 = tpu.memref_slice %arg3[%multiple_of3A_284, %multiple_of3A_292] : memref<512x32768xi32, #tpu.memory_space<hbm>> -> memref<8x128xi32, #tpu.memory_space<hbm>>
    %dma_start3A_301 = tpu.memref_slice %arg14[%dma_start3A_295] : memref<8x!tpu.dma_semaphore, #tpu.memory_space<semaphore_mem>> -> memref<1x!tpu.dma_semaphore, #tpu.memory_space<semaphore_mem>>
    %dma_start3A_302 = tpu.memref_squeeze %dma_start3A_301 : memref<1x!tpu.dma_semaphore, #tpu.memory_space<semaphore_mem>> -> memref<!tpu.dma_semaphore, #tpu.memory_space<semaphore_mem>>
    %dma_start3A_303 = arith.constant 0 : i32
    %dma_start3A_304 = arith.constant 0 : i32
    %dma_start3A_305 = tpu.memref_slice %arg11[%dma_start3A_293, %dma_start3A_294, %dma_start3A_303, %dma_start3A_304] : memref<8x2x8x128xi32, #tpu.memory_space<vmem>> -> memref<1x1x8x128xi32, #tpu.memory_space<vmem>>
    %dma_start3A_306 = tpu.memref_squeeze %dma_start3A_305 : memref<1x1x8x128xi32, #tpu.memory_space<vmem>> -> memref<8x128xi32, #tpu.memory_space<vmem>>
    %dma_start3A_307 = tpu.memref_slice %arg3[%multiple_of3A_284, %multiple_of3A_292] : memref<512x32768xi32, #tpu.memory_space<hbm>> -> memref<8x128xi32, #tpu.memory_space<hbm>>
    tpu.enqueue_dma source(%dma_start3A_307 : memref<8x128xi32, #tpu.memory_space<hbm>>) target(%dma_start3A_306 : memref<8x128xi32, #tpu.memory_space<vmem>>) target_semaphore(%dma_start3A_302 : memref<!tpu.dma_semaphore, #tpu.memory_space<semaphore_mem>>)
    %gt3A_308 = arith.constant 64 : i32
    %gt3A_309 = arith.cmpi sgt, %and3A_288, %gt3A_308 : i32
    %add3A_310 = arith.constant 128 : i32
    %add3A_311 = arith.addi %multiple_of3A_292, %add3A_310 : i32
    %convert_element_type3A_312 = arith.extui %gt3A_309 : i1 to i32
    %cond3A_313 = arith.constant 6 : i32
    %cond3A_314 = arith.constant 1 : i32
    %cond3A_315 = arith.constant 6 : i32
    %cond3A_316 = arith.constant 0 : i32
    %cond3A_317 = arith.cmpi ne, %convert_element_type3A_312, %cond3A_316 : i32
    scf.if %cond3A_317 {
      %dma_start3A_1206 = arith.constant 0 : i32
      %dma_start3A_1207 = arith.constant 0 : i32
      %dma_start3A_1208 = tpu.memref_slice %arg11[%cond3A_313, %cond3A_314, %dma_start3A_1206, %dma_start3A_1207] : memref<8x2x8x128xi32, #tpu.memory_space<vmem>> -> memref<1x1x8x128xi32, #tpu.memory_space<vmem>>
      %dma_start3A_1209 = tpu.memref_squeeze %dma_start3A_1208 : memref<1x1x8x128xi32, #tpu.memory_space<vmem>> -> memref<8x128xi32, #tpu.memory_space<vmem>>
      %dma_start3A_1210 = tpu.memref_slice %arg3[%multiple_of3A_284, %add3A_311] : memref<512x32768xi32, #tpu.memory_space<hbm>> -> memref<8x128xi32, #tpu.memory_space<hbm>>
      %dma_start3A_1211 = tpu.memref_slice %arg14[%cond3A_315] : memref<8x!tpu.dma_semaphore, #tpu.memory_space<semaphore_mem>> -> memref<1x!tpu.dma_semaphore, #tpu.memory_space<semaphore_mem>>
      %dma_start3A_1212 = tpu.memref_squeeze %dma_start3A_1211 : memref<1x!tpu.dma_semaphore, #tpu.memory_space<semaphore_mem>> -> memref<!tpu.dma_semaphore, #tpu.memory_space<semaphore_mem>>
      %dma_start3A_1213 = arith.constant 0 : i32
      %dma_start3A_1214 = arith.constant 0 : i32
      %dma_start3A_1215 = tpu.memref_slice %arg11[%cond3A_313, %cond3A_314, %dma_start3A_1213, %dma_start3A_1214] : memref<8x2x8x128xi32, #tpu.memory_space<vmem>> -> memref<1x1x8x128xi32, #tpu.memory_space<vmem>>
      %dma_start3A_1216 = tpu.memref_squeeze %dma_start3A_1215 : memref<1x1x8x128xi32, #tpu.memory_space<vmem>> -> memref<8x128xi32, #tpu.memory_space<vmem>>
      %dma_start3A_1217 = tpu.memref_slice %arg3[%multiple_of3A_284, %add3A_311] : memref<512x32768xi32, #tpu.memory_space<hbm>> -> memref<8x128xi32, #tpu.memory_space<hbm>>
      tpu.enqueue_dma source(%dma_start3A_1217 : memref<8x128xi32, #tpu.memory_space<hbm>>) target(%dma_start3A_1216 : memref<8x128xi32, #tpu.memory_space<vmem>>) target_semaphore(%dma_start3A_1212 : memref<!tpu.dma_semaphore, #tpu.memory_space<semaphore_mem>>)
    } else {
    }
    %slice3A_318 = vector.extract_strided_slice %get3A_39 {offsets = [7], sizes = [1], strides = [1]} : vector<16xi32> to vector<1xi32>
    %squeeze3A_319 = vector.extract %slice3A_318[0] : i32 from vector<1xi32>
    %not3A_320 = arith.constant 7 : i32
    %not3A_321 = arith.constant -1 : i32
    %not3A_322 = arith.xori %not3A_320, %not3A_321 : i32
    %and3A_323 = arith.andi %squeeze3A_319, %not3A_322 : i32
    %multiple_of3A_324 = tpu.assume_multiple %and3A_323, 8 : i32
    %slice3A_325 = vector.extract_strided_slice %add3A_43 {offsets = [7], sizes = [1], strides = [1]} : vector<16xi32> to vector<1xi32>
    %squeeze3A_326 = vector.extract %slice3A_325[0] : i32 from vector<1xi32>
    %and3A_327 = arith.constant 127 : i32
    %and3A_328 = arith.andi %squeeze3A_326, %and3A_327 : i32
    %slice3A_329 = vector.extract_strided_slice %add3A_43 {offsets = [7], sizes = [1], strides = [1]} : vector<16xi32> to vector<1xi32>
    %squeeze3A_330 = vector.extract %slice3A_329[0] : i32 from vector<1xi32>
    %sub3A_331 = arith.subi %squeeze3A_330, %and3A_328 : i32
    %multiple_of3A_332 = tpu.assume_multiple %sub3A_331, 128 : i32
    %dma_start3A_333 = arith.constant 7 : i32
    %dma_start3A_334 = arith.constant 0 : i32
    %dma_start3A_335 = arith.constant 7 : i32
    %dma_start3A_336 = arith.constant 0 : i32
    %dma_start3A_337 = arith.constant 0 : i32
    %dma_start3A_338 = tpu.memref_slice %arg11[%dma_start3A_333, %dma_start3A_334, %dma_start3A_336, %dma_start3A_337] : memref<8x2x8x128xi32, #tpu.memory_space<vmem>> -> memref<1x1x8x128xi32, #tpu.memory_space<vmem>>
    %dma_start3A_339 = tpu.memref_squeeze %dma_start3A_338 : memref<1x1x8x128xi32, #tpu.memory_space<vmem>> -> memref<8x128xi32, #tpu.memory_space<vmem>>
    %dma_start3A_340 = tpu.memref_slice %arg3[%multiple_of3A_324, %multiple_of3A_332] : memref<512x32768xi32, #tpu.memory_space<hbm>> -> memref<8x128xi32, #tpu.memory_space<hbm>>
    %dma_start3A_341 = tpu.memref_slice %arg14[%dma_start3A_335] : memref<8x!tpu.dma_semaphore, #tpu.memory_space<semaphore_mem>> -> memref<1x!tpu.dma_semaphore, #tpu.memory_space<semaphore_mem>>
    %dma_start3A_342 = tpu.memref_squeeze %dma_start3A_341 : memref<1x!tpu.dma_semaphore, #tpu.memory_space<semaphore_mem>> -> memref<!tpu.dma_semaphore, #tpu.memory_space<semaphore_mem>>
    %dma_start3A_343 = arith.constant 0 : i32
    %dma_start3A_344 = arith.constant 0 : i32
    %dma_start3A_345 = tpu.memref_slice %arg11[%dma_start3A_333, %dma_start3A_334, %dma_start3A_343, %dma_start3A_344] : memref<8x2x8x128xi32, #tpu.memory_space<vmem>> -> memref<1x1x8x128xi32, #tpu.memory_space<vmem>>
    %dma_start3A_346 = tpu.memref_squeeze %dma_start3A_345 : memref<1x1x8x128xi32, #tpu.memory_space<vmem>> -> memref<8x128xi32, #tpu.memory_space<vmem>>
    %dma_start3A_347 = tpu.memref_slice %arg3[%multiple_of3A_324, %multiple_of3A_332] : memref<512x32768xi32, #tpu.memory_space<hbm>> -> memref<8x128xi32, #tpu.memory_space<hbm>>
    tpu.enqueue_dma source(%dma_start3A_347 : memref<8x128xi32, #tpu.memory_space<hbm>>) target(%dma_start3A_346 : memref<8x128xi32, #tpu.memory_space<vmem>>) target_semaphore(%dma_start3A_342 : memref<!tpu.dma_semaphore, #tpu.memory_space<semaphore_mem>>)
    %gt3A_348 = arith.constant 64 : i32
    %gt3A_349 = arith.cmpi sgt, %and3A_328, %gt3A_348 : i32
    %add3A_350 = arith.constant 128 : i32
    %add3A_351 = arith.addi %multiple_of3A_332, %add3A_350 : i32
    %convert_element_type3A_352 = arith.extui %gt3A_349 : i1 to i32
    %cond3A_353 = arith.constant 7 : i32
    %cond3A_354 = arith.constant 1 : i32
    %cond3A_355 = arith.constant 7 : i32
    %cond3A_356 = arith.constant 0 : i32
    %cond3A_357 = arith.cmpi ne, %convert_element_type3A_352, %cond3A_356 : i32
    scf.if %cond3A_357 {
      %dma_start3A_1206 = arith.constant 0 : i32
      %dma_start3A_1207 = arith.constant 0 : i32
      %dma_start3A_1208 = tpu.memref_slice %arg11[%cond3A_353, %cond3A_354, %dma_start3A_1206, %dma_start3A_1207] : memref<8x2x8x128xi32, #tpu.memory_space<vmem>> -> memref<1x1x8x128xi32, #tpu.memory_space<vmem>>
      %dma_start3A_1209 = tpu.memref_squeeze %dma_start3A_1208 : memref<1x1x8x128xi32, #tpu.memory_space<vmem>> -> memref<8x128xi32, #tpu.memory_space<vmem>>
      %dma_start3A_1210 = tpu.memref_slice %arg3[%multiple_of3A_324, %add3A_351] : memref<512x32768xi32, #tpu.memory_space<hbm>> -> memref<8x128xi32, #tpu.memory_space<hbm>>
      %dma_start3A_1211 = tpu.memref_slice %arg14[%cond3A_355] : memref<8x!tpu.dma_semaphore, #tpu.memory_space<semaphore_mem>> -> memref<1x!tpu.dma_semaphore, #tpu.memory_space<semaphore_mem>>
      %dma_start3A_1212 = tpu.memref_squeeze %dma_start3A_1211 : memref<1x!tpu.dma_semaphore, #tpu.memory_space<semaphore_mem>> -> memref<!tpu.dma_semaphore, #tpu.memory_space<semaphore_mem>>
      %dma_start3A_1213 = arith.constant 0 : i32
      %dma_start3A_1214 = arith.constant 0 : i32
      %dma_start3A_1215 = tpu.memref_slice %arg11[%cond3A_353, %cond3A_354, %dma_start3A_1213, %dma_start3A_1214] : memref<8x2x8x128xi32, #tpu.memory_space<vmem>> -> memref<1x1x8x128xi32, #tpu.memory_space<vmem>>
      %dma_start3A_1216 = tpu.memref_squeeze %dma_start3A_1215 : memref<1x1x8x128xi32, #tpu.memory_space<vmem>> -> memref<8x128xi32, #tpu.memory_space<vmem>>
      %dma_start3A_1217 = tpu.memref_slice %arg3[%multiple_of3A_324, %add3A_351] : memref<512x32768xi32, #tpu.memory_space<hbm>> -> memref<8x128xi32, #tpu.memory_space<hbm>>
      tpu.enqueue_dma source(%dma_start3A_1217 : memref<8x128xi32, #tpu.memory_space<hbm>>) target(%dma_start3A_1216 : memref<8x128xi32, #tpu.memory_space<vmem>>) target_semaphore(%dma_start3A_1212 : memref<!tpu.dma_semaphore, #tpu.memory_space<semaphore_mem>>)
    } else {
    }
    %iota3A = tpu.iota {dimensions = array<i32: 0>} : vector<16xi32>
    %broadcast_in_dim3A = arith.constant 0 : i32
    %broadcast_in_dim3A_358 = vector.broadcast %broadcast_in_dim3A : i32 to vector<16xi32>
    %mul3A_359 = arith.constant 512 : i32
    %mul3A_360 = arith.muli %add3A, %mul3A_359 : i32
    %dma_wait3A_361 = arith.constant 0 : i32
    %dma_wait3A_362 = arith.constant 0 : i32
    %dma_wait3A_363 = arith.constant 0 : i32
    %dma_wait3A_364 = arith.constant 0 : i32
    %dma_wait3A_365 = arith.constant 0 : i32
    %dma_wait3A_366 = tpu.memref_slice %arg11[%dma_wait3A_361, %dma_wait3A_362, %dma_wait3A_364, %dma_wait3A_365] : memref<8x2x8x128xi32, #tpu.memory_space<vmem>> -> memref<1x1x8x128xi32, #tpu.memory_space<vmem>>
    %dma_wait3A_367 = tpu.memref_squeeze %dma_wait3A_366 : memref<1x1x8x128xi32, #tpu.memory_space<vmem>> -> memref<8x128xi32, #tpu.memory_space<vmem>>
    %dma_wait3A_368 = tpu.memref_slice %arg3[%multiple_of3A, %multiple_of3A_55] : memref<512x32768xi32, #tpu.memory_space<hbm>> -> memref<8x128xi32, #tpu.memory_space<hbm>>
    %dma_wait3A_369 = tpu.memref_slice %arg14[%dma_wait3A_363] : memref<8x!tpu.dma_semaphore, #tpu.memory_space<semaphore_mem>> -> memref<1x!tpu.dma_semaphore, #tpu.memory_space<semaphore_mem>>
    %dma_wait3A_370 = tpu.memref_squeeze %dma_wait3A_369 : memref<1x!tpu.dma_semaphore, #tpu.memory_space<semaphore_mem>> -> memref<!tpu.dma_semaphore, #tpu.memory_space<semaphore_mem>>
    %dma_wait3A_371 = arith.constant 0 : i32
    %dma_wait3A_372 = arith.constant 0 : i32
    %dma_wait3A_373 = tpu.memref_slice %arg11[%dma_wait3A_361, %dma_wait3A_362, %dma_wait3A_371, %dma_wait3A_372] : memref<8x2x8x128xi32, #tpu.memory_space<vmem>> -> memref<1x1x8x128xi32, #tpu.memory_space<vmem>>
    %dma_wait3A_374 = tpu.memref_squeeze %dma_wait3A_373 : memref<1x1x8x128xi32, #tpu.memory_space<vmem>> -> memref<8x128xi32, #tpu.memory_space<vmem>>
    %dma_wait3A_375 = tpu.memref_slice %arg3[%multiple_of3A, %multiple_of3A_55] : memref<512x32768xi32, #tpu.memory_space<hbm>> -> memref<8x128xi32, #tpu.memory_space<hbm>>
    tpu.wait_dma2 semaphore(%dma_wait3A_370 : memref<!tpu.dma_semaphore, #tpu.memory_space<semaphore_mem>>) src(%dma_wait3A_375 : memref<8x128xi32, #tpu.memory_space<hbm>>) dst(%dma_wait3A_374 : memref<8x128xi32, #tpu.memory_space<vmem>>)
    %convert_element_type3A_376 = arith.extui %gt3A_71 : i1 to i32
    %cond3A_377 = arith.constant 0 : i32
    %cond3A_378 = arith.constant 1 : i32
    %cond3A_379 = arith.constant 0 : i32
    %cond3A_380 = arith.constant 0 : i32
    %cond3A_381 = arith.cmpi ne, %convert_element_type3A_376, %cond3A_380 : i32
    scf.if %cond3A_381 {
      %dma_wait3A_1206 = arith.constant 0 : i32
      %dma_wait3A_1207 = arith.constant 0 : i32
      %dma_wait3A_1208 = tpu.memref_slice %arg11[%cond3A_377, %cond3A_378, %dma_wait3A_1206, %dma_wait3A_1207] : memref<8x2x8x128xi32, #tpu.memory_space<vmem>> -> memref<1x1x8x128xi32, #tpu.memory_space<vmem>>
      %dma_wait3A_1209 = tpu.memref_squeeze %dma_wait3A_1208 : memref<1x1x8x128xi32, #tpu.memory_space<vmem>> -> memref<8x128xi32, #tpu.memory_space<vmem>>
      %dma_wait3A_1210 = tpu.memref_slice %arg3[%multiple_of3A, %add3A_73] : memref<512x32768xi32, #tpu.memory_space<hbm>> -> memref<8x128xi32, #tpu.memory_space<hbm>>
      %dma_wait3A_1211 = tpu.memref_slice %arg14[%cond3A_379] : memref<8x!tpu.dma_semaphore, #tpu.memory_space<semaphore_mem>> -> memref<1x!tpu.dma_semaphore, #tpu.memory_space<semaphore_mem>>
      %dma_wait3A_1212 = tpu.memref_squeeze %dma_wait3A_1211 : memref<1x!tpu.dma_semaphore, #tpu.memory_space<semaphore_mem>> -> memref<!tpu.dma_semaphore, #tpu.memory_space<semaphore_mem>>
      %dma_wait3A_1213 = arith.constant 0 : i32
      %dma_wait3A_1214 = arith.constant 0 : i32
      %dma_wait3A_1215 = tpu.memref_slice %arg11[%cond3A_377, %cond3A_378, %dma_wait3A_1213, %dma_wait3A_1214] : memref<8x2x8x128xi32, #tpu.memory_space<vmem>> -> memref<1x1x8x128xi32, #tpu.memory_space<vmem>>
      %dma_wait3A_1216 = tpu.memref_squeeze %dma_wait3A_1215 : memref<1x1x8x128xi32, #tpu.memory_space<vmem>> -> memref<8x128xi32, #tpu.memory_space<vmem>>
      %dma_wait3A_1217 = tpu.memref_slice %arg3[%multiple_of3A, %add3A_73] : memref<512x32768xi32, #tpu.memory_space<hbm>> -> memref<8x128xi32, #tpu.memory_space<hbm>>
      tpu.wait_dma2 semaphore(%dma_wait3A_1212 : memref<!tpu.dma_semaphore, #tpu.memory_space<semaphore_mem>>) src(%dma_wait3A_1217 : memref<8x128xi32, #tpu.memory_space<hbm>>) dst(%dma_wait3A_1216 : memref<8x128xi32, #tpu.memory_space<vmem>>)
    } else {
    }
    %slice3A_382 = vector.extract_strided_slice %get3A_39 {offsets = [0], sizes = [1], strides = [1]} : vector<16xi32> to vector<1xi32>
    %squeeze3A_383 = vector.extract %slice3A_382[0] : i32 from vector<1xi32>
    %and3A_384 = arith.constant 7 : i32
    %and3A_385 = arith.andi %squeeze3A_383, %and3A_384 : i32
    %broadcast_in_dim3A_386 = vector.broadcast %and3A_385 : i32 to vector<16xi32>
    %slice3A_387 = vector.extract_strided_slice %add3A_43 {offsets = [0], sizes = [1], strides = [1]} : vector<16xi32> to vector<1xi32>
    %squeeze3A_388 = vector.extract %slice3A_387[0] : i32 from vector<1xi32>
    %and3A_389 = arith.constant 127 : i32
    %and3A_390 = arith.andi %squeeze3A_388, %and3A_389 : i32
    %broadcast_in_dim3A_391 = vector.broadcast %and3A_390 : i32 to vector<16xi32>
    %add3A_392 = arith.addi %broadcast_in_dim3A_391, %iota3A : vector<16xi32>
    %add3A_393 = arith.constant 0 : i32
    %add3A_394 = vector.broadcast %add3A_393 : i32 to vector<16xi32>
    %add3A_395 = arith.addi %add3A_392, %add3A_394 : vector<16xi32>
    %add3A_396 = arith.constant 0 : i32
    %add3A_397 = vector.broadcast %add3A_396 : i32 to vector<16xi32>
    %add3A_398 = arith.addi %broadcast_in_dim3A_358, %add3A_397 : vector<16xi32>
    %shift_right_arithmetic3A = arith.constant 7 : i32
    %shift_right_arithmetic3A_399 = vector.broadcast %shift_right_arithmetic3A : i32 to vector<16xi32>
    %shift_right_arithmetic3A_400 = arith.shrsi %add3A_395, %shift_right_arithmetic3A_399 : vector<16xi32>
    %and3A_401 = arith.constant 127 : i32
    %and3A_402 = vector.broadcast %and3A_401 : i32 to vector<16xi32>
    %and3A_403 = arith.andi %add3A_395, %and3A_402 : vector<16xi32>
    %gather3A = tpu.vector_load_idx %arg11[%add3A_398, %shift_right_arithmetic3A_400, %broadcast_in_dim3A_386, %and3A_403] : memref<8x2x8x128xi32, #tpu.memory_space<vmem>>[vector<16xi32>, vector<16xi32>, vector<16xi32>, vector<16xi32>], vector<16xi32>,
    %swap3A = arith.constant 0 : index
    %swap3A_404 = tpu.vector_load %arg12[%swap3A] {strides = array<i32>} : memref<512xi32, #tpu.memory_space<vmem>>, vector<16xi32>,
    tpu.vector_store %arg12[%swap3A], %gather3A {strides = array<i32>} : memref<512xi32, #tpu.memory_space<vmem>>, vector<16xi32>,
    %add3A_405 = arith.constant 16 : i32
    %add3A_406 = vector.broadcast %add3A_405 : i32 to vector<16xi32>
    %add3A_407 = arith.addi %add3A_392, %add3A_406 : vector<16xi32>
    %add3A_408 = arith.constant 0 : i32
    %add3A_409 = vector.broadcast %add3A_408 : i32 to vector<16xi32>
    %add3A_410 = arith.addi %broadcast_in_dim3A_358, %add3A_409 : vector<16xi32>
    %shift_right_arithmetic3A_411 = arith.constant 7 : i32
    %shift_right_arithmetic3A_412 = vector.broadcast %shift_right_arithmetic3A_411 : i32 to vector<16xi32>
    %shift_right_arithmetic3A_413 = arith.shrsi %add3A_407, %shift_right_arithmetic3A_412 : vector<16xi32>
    %and3A_414 = arith.constant 127 : i32
    %and3A_415 = vector.broadcast %and3A_414 : i32 to vector<16xi32>
    %and3A_416 = arith.andi %add3A_407, %and3A_415 : vector<16xi32>
    %gather3A_417 = tpu.vector_load_idx %arg11[%add3A_410, %shift_right_arithmetic3A_413, %broadcast_in_dim3A_386, %and3A_416] : memref<8x2x8x128xi32, #tpu.memory_space<vmem>>[vector<16xi32>, vector<16xi32>, vector<16xi32>, vector<16xi32>], vector<16xi32>,
    %swap3A_418 = arith.constant 16 : index
    %swap3A_419 = tpu.vector_load %arg12[%swap3A_418] {strides = array<i32>} : memref<512xi32, #tpu.memory_space<vmem>>, vector<16xi32>,
    tpu.vector_store %arg12[%swap3A_418], %gather3A_417 {strides = array<i32>} : memref<512xi32, #tpu.memory_space<vmem>>, vector<16xi32>,
    %add3A_420 = arith.constant 32 : i32
    %add3A_421 = vector.broadcast %add3A_420 : i32 to vector<16xi32>
    %add3A_422 = arith.addi %add3A_392, %add3A_421 : vector<16xi32>
    %add3A_423 = arith.constant 0 : i32
    %add3A_424 = vector.broadcast %add3A_423 : i32 to vector<16xi32>
    %add3A_425 = arith.addi %broadcast_in_dim3A_358, %add3A_424 : vector<16xi32>
    %shift_right_arithmetic3A_426 = arith.constant 7 : i32
    %shift_right_arithmetic3A_427 = vector.broadcast %shift_right_arithmetic3A_426 : i32 to vector<16xi32>
    %shift_right_arithmetic3A_428 = arith.shrsi %add3A_422, %shift_right_arithmetic3A_427 : vector<16xi32>
    %and3A_429 = arith.constant 127 : i32
    %and3A_430 = vector.broadcast %and3A_429 : i32 to vector<16xi32>
    %and3A_431 = arith.andi %add3A_422, %and3A_430 : vector<16xi32>
    %gather3A_432 = tpu.vector_load_idx %arg11[%add3A_425, %shift_right_arithmetic3A_428, %broadcast_in_dim3A_386, %and3A_431] : memref<8x2x8x128xi32, #tpu.memory_space<vmem>>[vector<16xi32>, vector<16xi32>, vector<16xi32>, vector<16xi32>], vector<16xi32>,
    %swap3A_433 = arith.constant 32 : index
    %swap3A_434 = tpu.vector_load %arg12[%swap3A_433] {strides = array<i32>} : memref<512xi32, #tpu.memory_space<vmem>>, vector<16xi32>,
    tpu.vector_store %arg12[%swap3A_433], %gather3A_432 {strides = array<i32>} : memref<512xi32, #tpu.memory_space<vmem>>, vector<16xi32>,
    %add3A_435 = arith.constant 48 : i32
    %add3A_436 = vector.broadcast %add3A_435 : i32 to vector<16xi32>
    %add3A_437 = arith.addi %add3A_392, %add3A_436 : vector<16xi32>
    %add3A_438 = arith.constant 0 : i32
    %add3A_439 = vector.broadcast %add3A_438 : i32 to vector<16xi32>
    %add3A_440 = arith.addi %broadcast_in_dim3A_358, %add3A_439 : vector<16xi32>
    %shift_right_arithmetic3A_441 = arith.constant 7 : i32
    %shift_right_arithmetic3A_442 = vector.broadcast %shift_right_arithmetic3A_441 : i32 to vector<16xi32>
    %shift_right_arithmetic3A_443 = arith.shrsi %add3A_437, %shift_right_arithmetic3A_442 : vector<16xi32>
    %and3A_444 = arith.constant 127 : i32
    %and3A_445 = vector.broadcast %and3A_444 : i32 to vector<16xi32>
    %and3A_446 = arith.andi %add3A_437, %and3A_445 : vector<16xi32>
    %gather3A_447 = tpu.vector_load_idx %arg11[%add3A_440, %shift_right_arithmetic3A_443, %broadcast_in_dim3A_386, %and3A_446] : memref<8x2x8x128xi32, #tpu.memory_space<vmem>>[vector<16xi32>, vector<16xi32>, vector<16xi32>, vector<16xi32>], vector<16xi32>,
    %swap3A_448 = arith.constant 48 : index
    %swap3A_449 = tpu.vector_load %arg12[%swap3A_448] {strides = array<i32>} : memref<512xi32, #tpu.memory_space<vmem>>, vector<16xi32>,
    tpu.vector_store %arg12[%swap3A_448], %gather3A_447 {strides = array<i32>} : memref<512xi32, #tpu.memory_space<vmem>>, vector<16xi32>,
    %add3A_450 = arith.constant 0 : i32
    %add3A_451 = arith.addi %mul3A_360, %add3A_450 : i32
    %dma_start3A_452 = arith.constant 0 : i32
    %dma_start3A_453 = tpu.memref_slice %arg12[%dma_start3A_452] : memref<512xi32, #tpu.memory_space<vmem>> -> memref<64xi32, #tpu.memory_space<vmem>>
    %dma_start3A_454 = tpu.memref_slice %arg7[%add3A_451] : memref<8192xi32, #tpu.memory_space<hbm>> -> memref<64xi32, #tpu.memory_space<hbm>>
    %dma_start3A_455 = tpu.memref_slice %arg7[%add3A_451] : memref<8192xi32, #tpu.memory_space<hbm>> -> memref<64xi32, #tpu.memory_space<hbm>>
    %dma_start3A_456 = arith.constant 0 : i32
    %dma_start3A_457 = tpu.memref_slice %arg12[%dma_start3A_456] : memref<512xi32, #tpu.memory_space<vmem>> -> memref<64xi32, #tpu.memory_space<vmem>>
    tpu.enqueue_dma source(%dma_start3A_457 : memref<64xi32, #tpu.memory_space<vmem>>) target(%dma_start3A_455 : memref<64xi32, #tpu.memory_space<hbm>>) target_semaphore(%arg15 : memref<!tpu.dma_semaphore, #tpu.memory_space<semaphore_mem>>)
    %dma_wait3A_458 = arith.constant 1 : i32
    %dma_wait3A_459 = arith.constant 0 : i32
    %dma_wait3A_460 = arith.constant 1 : i32
    %dma_wait3A_461 = arith.constant 0 : i32
    %dma_wait3A_462 = arith.constant 0 : i32
    %dma_wait3A_463 = tpu.memref_slice %arg11[%dma_wait3A_458, %dma_wait3A_459, %dma_wait3A_461, %dma_wait3A_462] : memref<8x2x8x128xi32, #tpu.memory_space<vmem>> -> memref<1x1x8x128xi32, #tpu.memory_space<vmem>>
    %dma_wait3A_464 = tpu.memref_squeeze %dma_wait3A_463 : memref<1x1x8x128xi32, #tpu.memory_space<vmem>> -> memref<8x128xi32, #tpu.memory_space<vmem>>
    %dma_wait3A_465 = tpu.memref_slice %arg3[%multiple_of3A_84, %multiple_of3A_92] : memref<512x32768xi32, #tpu.memory_space<hbm>> -> memref<8x128xi32, #tpu.memory_space<hbm>>
    %dma_wait3A_466 = tpu.memref_slice %arg14[%dma_wait3A_460] : memref<8x!tpu.dma_semaphore, #tpu.memory_space<semaphore_mem>> -> memref<1x!tpu.dma_semaphore, #tpu.memory_space<semaphore_mem>>
    %dma_wait3A_467 = tpu.memref_squeeze %dma_wait3A_466 : memref<1x!tpu.dma_semaphore, #tpu.memory_space<semaphore_mem>> -> memref<!tpu.dma_semaphore, #tpu.memory_space<semaphore_mem>>
    %dma_wait3A_468 = arith.constant 0 : i32
    %dma_wait3A_469 = arith.constant 0 : i32
    %dma_wait3A_470 = tpu.memref_slice %arg11[%dma_wait3A_458, %dma_wait3A_459, %dma_wait3A_468, %dma_wait3A_469] : memref<8x2x8x128xi32, #tpu.memory_space<vmem>> -> memref<1x1x8x128xi32, #tpu.memory_space<vmem>>
    %dma_wait3A_471 = tpu.memref_squeeze %dma_wait3A_470 : memref<1x1x8x128xi32, #tpu.memory_space<vmem>> -> memref<8x128xi32, #tpu.memory_space<vmem>>
    %dma_wait3A_472 = tpu.memref_slice %arg3[%multiple_of3A_84, %multiple_of3A_92] : memref<512x32768xi32, #tpu.memory_space<hbm>> -> memref<8x128xi32, #tpu.memory_space<hbm>>
    tpu.wait_dma2 semaphore(%dma_wait3A_467 : memref<!tpu.dma_semaphore, #tpu.memory_space<semaphore_mem>>) src(%dma_wait3A_472 : memref<8x128xi32, #tpu.memory_space<hbm>>) dst(%dma_wait3A_471 : memref<8x128xi32, #tpu.memory_space<vmem>>)
    %convert_element_type3A_473 = arith.extui %gt3A_109 : i1 to i32
    %cond3A_474 = arith.constant 1 : i32
    %cond3A_475 = arith.constant 1 : i32
    %cond3A_476 = arith.constant 1 : i32
    %cond3A_477 = arith.constant 0 : i32
    %cond3A_478 = arith.cmpi ne, %convert_element_type3A_473, %cond3A_477 : i32
    scf.if %cond3A_478 {
      %dma_wait3A_1206 = arith.constant 0 : i32
      %dma_wait3A_1207 = arith.constant 0 : i32
      %dma_wait3A_1208 = tpu.memref_slice %arg11[%cond3A_474, %cond3A_475, %dma_wait3A_1206, %dma_wait3A_1207] : memref<8x2x8x128xi32, #tpu.memory_space<vmem>> -> memref<1x1x8x128xi32, #tpu.memory_space<vmem>>
      %dma_wait3A_1209 = tpu.memref_squeeze %dma_wait3A_1208 : memref<1x1x8x128xi32, #tpu.memory_space<vmem>> -> memref<8x128xi32, #tpu.memory_space<vmem>>
      %dma_wait3A_1210 = tpu.memref_slice %arg3[%multiple_of3A_84, %add3A_111] : memref<512x32768xi32, #tpu.memory_space<hbm>> -> memref<8x128xi32, #tpu.memory_space<hbm>>
      %dma_wait3A_1211 = tpu.memref_slice %arg14[%cond3A_476] : memref<8x!tpu.dma_semaphore, #tpu.memory_space<semaphore_mem>> -> memref<1x!tpu.dma_semaphore, #tpu.memory_space<semaphore_mem>>
      %dma_wait3A_1212 = tpu.memref_squeeze %dma_wait3A_1211 : memref<1x!tpu.dma_semaphore, #tpu.memory_space<semaphore_mem>> -> memref<!tpu.dma_semaphore, #tpu.memory_space<semaphore_mem>>
      %dma_wait3A_1213 = arith.constant 0 : i32
      %dma_wait3A_1214 = arith.constant 0 : i32
      %dma_wait3A_1215 = tpu.memref_slice %arg11[%cond3A_474, %cond3A_475, %dma_wait3A_1213, %dma_wait3A_1214] : memref<8x2x8x128xi32, #tpu.memory_space<vmem>> -> memref<1x1x8x128xi32, #tpu.memory_space<vmem>>
      %dma_wait3A_1216 = tpu.memref_squeeze %dma_wait3A_1215 : memref<1x1x8x128xi32, #tpu.memory_space<vmem>> -> memref<8x128xi32, #tpu.memory_space<vmem>>
      %dma_wait3A_1217 = tpu.memref_slice %arg3[%multiple_of3A_84, %add3A_111] : memref<512x32768xi32, #tpu.memory_space<hbm>> -> memref<8x128xi32, #tpu.memory_space<hbm>>
      tpu.wait_dma2 semaphore(%dma_wait3A_1212 : memref<!tpu.dma_semaphore, #tpu.memory_space<semaphore_mem>>) src(%dma_wait3A_1217 : memref<8x128xi32, #tpu.memory_space<hbm>>) dst(%dma_wait3A_1216 : memref<8x128xi32, #tpu.memory_space<vmem>>)
    } else {
    }
    %slice3A_479 = vector.extract_strided_slice %get3A_39 {offsets = [1], sizes = [1], strides = [1]} : vector<16xi32> to vector<1xi32>
    %squeeze3A_480 = vector.extract %slice3A_479[0] : i32 from vector<1xi32>
    %and3A_481 = arith.constant 7 : i32
    %and3A_482 = arith.andi %squeeze3A_480, %and3A_481 : i32
    %broadcast_in_dim3A_483 = vector.broadcast %and3A_482 : i32 to vector<16xi32>
    %slice3A_484 = vector.extract_strided_slice %add3A_43 {offsets = [1], sizes = [1], strides = [1]} : vector<16xi32> to vector<1xi32>
    %squeeze3A_485 = vector.extract %slice3A_484[0] : i32 from vector<1xi32>
    %and3A_486 = arith.constant 127 : i32
    %and3A_487 = arith.andi %squeeze3A_485, %and3A_486 : i32
    %broadcast_in_dim3A_488 = vector.broadcast %and3A_487 : i32 to vector<16xi32>
    %add3A_489 = arith.addi %broadcast_in_dim3A_488, %iota3A : vector<16xi32>
    %add3A_490 = arith.constant 0 : i32
    %add3A_491 = vector.broadcast %add3A_490 : i32 to vector<16xi32>
    %add3A_492 = arith.addi %add3A_489, %add3A_491 : vector<16xi32>
    %add3A_493 = arith.constant 1 : i32
    %add3A_494 = vector.broadcast %add3A_493 : i32 to vector<16xi32>
    %add3A_495 = arith.addi %broadcast_in_dim3A_358, %add3A_494 : vector<16xi32>
    %shift_right_arithmetic3A_496 = arith.constant 7 : i32
    %shift_right_arithmetic3A_497 = vector.broadcast %shift_right_arithmetic3A_496 : i32 to vector<16xi32>
    %shift_right_arithmetic3A_498 = arith.shrsi %add3A_492, %shift_right_arithmetic3A_497 : vector<16xi32>
    %and3A_499 = arith.constant 127 : i32
    %and3A_500 = vector.broadcast %and3A_499 : i32 to vector<16xi32>
    %and3A_501 = arith.andi %add3A_492, %and3A_500 : vector<16xi32>
    %gather3A_502 = tpu.vector_load_idx %arg11[%add3A_495, %shift_right_arithmetic3A_498, %broadcast_in_dim3A_483, %and3A_501] : memref<8x2x8x128xi32, #tpu.memory_space<vmem>>[vector<16xi32>, vector<16xi32>, vector<16xi32>, vector<16xi32>], vector<16xi32>,
    %swap3A_503 = arith.constant 64 : index
    %swap3A_504 = tpu.vector_load %arg12[%swap3A_503] {strides = array<i32>} : memref<512xi32, #tpu.memory_space<vmem>>, vector<16xi32>,
    tpu.vector_store %arg12[%swap3A_503], %gather3A_502 {strides = array<i32>} : memref<512xi32, #tpu.memory_space<vmem>>, vector<16xi32>,
    %add3A_505 = arith.constant 16 : i32
    %add3A_506 = vector.broadcast %add3A_505 : i32 to vector<16xi32>
    %add3A_507 = arith.addi %add3A_489, %add3A_506 : vector<16xi32>
    %add3A_508 = arith.constant 1 : i32
    %add3A_509 = vector.broadcast %add3A_508 : i32 to vector<16xi32>
    %add3A_510 = arith.addi %broadcast_in_dim3A_358, %add3A_509 : vector<16xi32>
    %shift_right_arithmetic3A_511 = arith.constant 7 : i32
    %shift_right_arithmetic3A_512 = vector.broadcast %shift_right_arithmetic3A_511 : i32 to vector<16xi32>
    %shift_right_arithmetic3A_513 = arith.shrsi %add3A_507, %shift_right_arithmetic3A_512 : vector<16xi32>
    %and3A_514 = arith.constant 127 : i32
    %and3A_515 = vector.broadcast %and3A_514 : i32 to vector<16xi32>
    %and3A_516 = arith.andi %add3A_507, %and3A_515 : vector<16xi32>
    %gather3A_517 = tpu.vector_load_idx %arg11[%add3A_510, %shift_right_arithmetic3A_513, %broadcast_in_dim3A_483, %and3A_516] : memref<8x2x8x128xi32, #tpu.memory_space<vmem>>[vector<16xi32>, vector<16xi32>, vector<16xi32>, vector<16xi32>], vector<16xi32>,
    %swap3A_518 = arith.constant 80 : index
    %swap3A_519 = tpu.vector_load %arg12[%swap3A_518] {strides = array<i32>} : memref<512xi32, #tpu.memory_space<vmem>>, vector<16xi32>,
    tpu.vector_store %arg12[%swap3A_518], %gather3A_517 {strides = array<i32>} : memref<512xi32, #tpu.memory_space<vmem>>, vector<16xi32>,
    %add3A_520 = arith.constant 32 : i32
    %add3A_521 = vector.broadcast %add3A_520 : i32 to vector<16xi32>
    %add3A_522 = arith.addi %add3A_489, %add3A_521 : vector<16xi32>
    %add3A_523 = arith.constant 1 : i32
    %add3A_524 = vector.broadcast %add3A_523 : i32 to vector<16xi32>
    %add3A_525 = arith.addi %broadcast_in_dim3A_358, %add3A_524 : vector<16xi32>
    %shift_right_arithmetic3A_526 = arith.constant 7 : i32
    %shift_right_arithmetic3A_527 = vector.broadcast %shift_right_arithmetic3A_526 : i32 to vector<16xi32>
    %shift_right_arithmetic3A_528 = arith.shrsi %add3A_522, %shift_right_arithmetic3A_527 : vector<16xi32>
    %and3A_529 = arith.constant 127 : i32
    %and3A_530 = vector.broadcast %and3A_529 : i32 to vector<16xi32>
    %and3A_531 = arith.andi %add3A_522, %and3A_530 : vector<16xi32>
    %gather3A_532 = tpu.vector_load_idx %arg11[%add3A_525, %shift_right_arithmetic3A_528, %broadcast_in_dim3A_483, %and3A_531] : memref<8x2x8x128xi32, #tpu.memory_space<vmem>>[vector<16xi32>, vector<16xi32>, vector<16xi32>, vector<16xi32>], vector<16xi32>,
    %swap3A_533 = arith.constant 96 : index
    %swap3A_534 = tpu.vector_load %arg12[%swap3A_533] {strides = array<i32>} : memref<512xi32, #tpu.memory_space<vmem>>, vector<16xi32>,
    tpu.vector_store %arg12[%swap3A_533], %gather3A_532 {strides = array<i32>} : memref<512xi32, #tpu.memory_space<vmem>>, vector<16xi32>,
    %add3A_535 = arith.constant 48 : i32
    %add3A_536 = vector.broadcast %add3A_535 : i32 to vector<16xi32>
    %add3A_537 = arith.addi %add3A_489, %add3A_536 : vector<16xi32>
    %add3A_538 = arith.constant 1 : i32
    %add3A_539 = vector.broadcast %add3A_538 : i32 to vector<16xi32>
    %add3A_540 = arith.addi %broadcast_in_dim3A_358, %add3A_539 : vector<16xi32>
    %shift_right_arithmetic3A_541 = arith.constant 7 : i32
    %shift_right_arithmetic3A_542 = vector.broadcast %shift_right_arithmetic3A_541 : i32 to vector<16xi32>
    %shift_right_arithmetic3A_543 = arith.shrsi %add3A_537, %shift_right_arithmetic3A_542 : vector<16xi32>
    %and3A_544 = arith.constant 127 : i32
    %and3A_545 = vector.broadcast %and3A_544 : i32 to vector<16xi32>
    %and3A_546 = arith.andi %add3A_537, %and3A_545 : vector<16xi32>
    %gather3A_547 = tpu.vector_load_idx %arg11[%add3A_540, %shift_right_arithmetic3A_543, %broadcast_in_dim3A_483, %and3A_546] : memref<8x2x8x128xi32, #tpu.memory_space<vmem>>[vector<16xi32>, vector<16xi32>, vector<16xi32>, vector<16xi32>], vector<16xi32>,
    %swap3A_548 = arith.constant 112 : index
    %swap3A_549 = tpu.vector_load %arg12[%swap3A_548] {strides = array<i32>} : memref<512xi32, #tpu.memory_space<vmem>>, vector<16xi32>,
    tpu.vector_store %arg12[%swap3A_548], %gather3A_547 {strides = array<i32>} : memref<512xi32, #tpu.memory_space<vmem>>, vector<16xi32>,
    %add3A_550 = arith.constant 64 : i32
    %add3A_551 = arith.addi %mul3A_360, %add3A_550 : i32
    %dma_start3A_552 = arith.constant 64 : i32
    %dma_start3A_553 = tpu.memref_slice %arg12[%dma_start3A_552] : memref<512xi32, #tpu.memory_space<vmem>> -> memref<64xi32, #tpu.memory_space<vmem>>
    %dma_start3A_554 = tpu.memref_slice %arg7[%add3A_551] : memref<8192xi32, #tpu.memory_space<hbm>> -> memref<64xi32, #tpu.memory_space<hbm>>
    %dma_start3A_555 = tpu.memref_slice %arg7[%add3A_551] : memref<8192xi32, #tpu.memory_space<hbm>> -> memref<64xi32, #tpu.memory_space<hbm>>
    %dma_start3A_556 = arith.constant 64 : i32
    %dma_start3A_557 = tpu.memref_slice %arg12[%dma_start3A_556] : memref<512xi32, #tpu.memory_space<vmem>> -> memref<64xi32, #tpu.memory_space<vmem>>
    tpu.enqueue_dma source(%dma_start3A_557 : memref<64xi32, #tpu.memory_space<vmem>>) target(%dma_start3A_555 : memref<64xi32, #tpu.memory_space<hbm>>) target_semaphore(%arg15 : memref<!tpu.dma_semaphore, #tpu.memory_space<semaphore_mem>>)
    %dma_wait3A_558 = arith.constant 2 : i32
    %dma_wait3A_559 = arith.constant 0 : i32
    %dma_wait3A_560 = arith.constant 2 : i32
    %dma_wait3A_561 = arith.constant 0 : i32
    %dma_wait3A_562 = arith.constant 0 : i32
    %dma_wait3A_563 = tpu.memref_slice %arg11[%dma_wait3A_558, %dma_wait3A_559, %dma_wait3A_561, %dma_wait3A_562] : memref<8x2x8x128xi32, #tpu.memory_space<vmem>> -> memref<1x1x8x128xi32, #tpu.memory_space<vmem>>
    %dma_wait3A_564 = tpu.memref_squeeze %dma_wait3A_563 : memref<1x1x8x128xi32, #tpu.memory_space<vmem>> -> memref<8x128xi32, #tpu.memory_space<vmem>>
    %dma_wait3A_565 = tpu.memref_slice %arg3[%multiple_of3A_124, %multiple_of3A_132] : memref<512x32768xi32, #tpu.memory_space<hbm>> -> memref<8x128xi32, #tpu.memory_space<hbm>>
    %dma_wait3A_566 = tpu.memref_slice %arg14[%dma_wait3A_560] : memref<8x!tpu.dma_semaphore, #tpu.memory_space<semaphore_mem>> -> memref<1x!tpu.dma_semaphore, #tpu.memory_space<semaphore_mem>>
    %dma_wait3A_567 = tpu.memref_squeeze %dma_wait3A_566 : memref<1x!tpu.dma_semaphore, #tpu.memory_space<semaphore_mem>> -> memref<!tpu.dma_semaphore, #tpu.memory_space<semaphore_mem>>
    %dma_wait3A_568 = arith.constant 0 : i32
    %dma_wait3A_569 = arith.constant 0 : i32
    %dma_wait3A_570 = tpu.memref_slice %arg11[%dma_wait3A_558, %dma_wait3A_559, %dma_wait3A_568, %dma_wait3A_569] : memref<8x2x8x128xi32, #tpu.memory_space<vmem>> -> memref<1x1x8x128xi32, #tpu.memory_space<vmem>>
    %dma_wait3A_571 = tpu.memref_squeeze %dma_wait3A_570 : memref<1x1x8x128xi32, #tpu.memory_space<vmem>> -> memref<8x128xi32, #tpu.memory_space<vmem>>
    %dma_wait3A_572 = tpu.memref_slice %arg3[%multiple_of3A_124, %multiple_of3A_132] : memref<512x32768xi32, #tpu.memory_space<hbm>> -> memref<8x128xi32, #tpu.memory_space<hbm>>
    tpu.wait_dma2 semaphore(%dma_wait3A_567 : memref<!tpu.dma_semaphore, #tpu.memory_space<semaphore_mem>>) src(%dma_wait3A_572 : memref<8x128xi32, #tpu.memory_space<hbm>>) dst(%dma_wait3A_571 : memref<8x128xi32, #tpu.memory_space<vmem>>)
    %convert_element_type3A_573 = arith.extui %gt3A_149 : i1 to i32
    %cond3A_574 = arith.constant 2 : i32
    %cond3A_575 = arith.constant 1 : i32
    %cond3A_576 = arith.constant 2 : i32
    %cond3A_577 = arith.constant 0 : i32
    %cond3A_578 = arith.cmpi ne, %convert_element_type3A_573, %cond3A_577 : i32
    scf.if %cond3A_578 {
      %dma_wait3A_1206 = arith.constant 0 : i32
      %dma_wait3A_1207 = arith.constant 0 : i32
      %dma_wait3A_1208 = tpu.memref_slice %arg11[%cond3A_574, %cond3A_575, %dma_wait3A_1206, %dma_wait3A_1207] : memref<8x2x8x128xi32, #tpu.memory_space<vmem>> -> memref<1x1x8x128xi32, #tpu.memory_space<vmem>>
      %dma_wait3A_1209 = tpu.memref_squeeze %dma_wait3A_1208 : memref<1x1x8x128xi32, #tpu.memory_space<vmem>> -> memref<8x128xi32, #tpu.memory_space<vmem>>
      %dma_wait3A_1210 = tpu.memref_slice %arg3[%multiple_of3A_124, %add3A_151] : memref<512x32768xi32, #tpu.memory_space<hbm>> -> memref<8x128xi32, #tpu.memory_space<hbm>>
      %dma_wait3A_1211 = tpu.memref_slice %arg14[%cond3A_576] : memref<8x!tpu.dma_semaphore, #tpu.memory_space<semaphore_mem>> -> memref<1x!tpu.dma_semaphore, #tpu.memory_space<semaphore_mem>>
      %dma_wait3A_1212 = tpu.memref_squeeze %dma_wait3A_1211 : memref<1x!tpu.dma_semaphore, #tpu.memory_space<semaphore_mem>> -> memref<!tpu.dma_semaphore, #tpu.memory_space<semaphore_mem>>
      %dma_wait3A_1213 = arith.constant 0 : i32
      %dma_wait3A_1214 = arith.constant 0 : i32
      %dma_wait3A_1215 = tpu.memref_slice %arg11[%cond3A_574, %cond3A_575, %dma_wait3A_1213, %dma_wait3A_1214] : memref<8x2x8x128xi32, #tpu.memory_space<vmem>> -> memref<1x1x8x128xi32, #tpu.memory_space<vmem>>
      %dma_wait3A_1216 = tpu.memref_squeeze %dma_wait3A_1215 : memref<1x1x8x128xi32, #tpu.memory_space<vmem>> -> memref<8x128xi32, #tpu.memory_space<vmem>>
      %dma_wait3A_1217 = tpu.memref_slice %arg3[%multiple_of3A_124, %add3A_151] : memref<512x32768xi32, #tpu.memory_space<hbm>> -> memref<8x128xi32, #tpu.memory_space<hbm>>
      tpu.wait_dma2 semaphore(%dma_wait3A_1212 : memref<!tpu.dma_semaphore, #tpu.memory_space<semaphore_mem>>) src(%dma_wait3A_1217 : memref<8x128xi32, #tpu.memory_space<hbm>>) dst(%dma_wait3A_1216 : memref<8x128xi32, #tpu.memory_space<vmem>>)
    } else {
    }
    %slice3A_579 = vector.extract_strided_slice %get3A_39 {offsets = [2], sizes = [1], strides = [1]} : vector<16xi32> to vector<1xi32>
    %squeeze3A_580 = vector.extract %slice3A_579[0] : i32 from vector<1xi32>
    %and3A_581 = arith.constant 7 : i32
    %and3A_582 = arith.andi %squeeze3A_580, %and3A_581 : i32
    %broadcast_in_dim3A_583 = vector.broadcast %and3A_582 : i32 to vector<16xi32>
    %slice3A_584 = vector.extract_strided_slice %add3A_43 {offsets = [2], sizes = [1], strides = [1]} : vector<16xi32> to vector<1xi32>
    %squeeze3A_585 = vector.extract %slice3A_584[0] : i32 from vector<1xi32>
    %and3A_586 = arith.constant 127 : i32
    %and3A_587 = arith.andi %squeeze3A_585, %and3A_586 : i32
    %broadcast_in_dim3A_588 = vector.broadcast %and3A_587 : i32 to vector<16xi32>
    %add3A_589 = arith.addi %broadcast_in_dim3A_588, %iota3A : vector<16xi32>
    %add3A_590 = arith.constant 0 : i32
    %add3A_591 = vector.broadcast %add3A_590 : i32 to vector<16xi32>
    %add3A_592 = arith.addi %add3A_589, %add3A_591 : vector<16xi32>
    %add3A_593 = arith.constant 2 : i32
    %add3A_594 = vector.broadcast %add3A_593 : i32 to vector<16xi32>
    %add3A_595 = arith.addi %broadcast_in_dim3A_358, %add3A_594 : vector<16xi32>
    %shift_right_arithmetic3A_596 = arith.constant 7 : i32
    %shift_right_arithmetic3A_597 = vector.broadcast %shift_right_arithmetic3A_596 : i32 to vector<16xi32>
    %shift_right_arithmetic3A_598 = arith.shrsi %add3A_592, %shift_right_arithmetic3A_597 : vector<16xi32>
    %and3A_599 = arith.constant 127 : i32
    %and3A_600 = vector.broadcast %and3A_599 : i32 to vector<16xi32>
    %and3A_601 = arith.andi %add3A_592, %and3A_600 : vector<16xi32>
    %gather3A_602 = tpu.vector_load_idx %arg11[%add3A_595, %shift_right_arithmetic3A_598, %broadcast_in_dim3A_583, %and3A_601] : memref<8x2x8x128xi32, #tpu.memory_space<vmem>>[vector<16xi32>, vector<16xi32>, vector<16xi32>, vector<16xi32>], vector<16xi32>,
    %swap3A_603 = arith.constant 128 : index
    %swap3A_604 = tpu.vector_load %arg12[%swap3A_603] {strides = array<i32>} : memref<512xi32, #tpu.memory_space<vmem>>, vector<16xi32>,
    tpu.vector_store %arg12[%swap3A_603], %gather3A_602 {strides = array<i32>} : memref<512xi32, #tpu.memory_space<vmem>>, vector<16xi32>,
    %add3A_605 = arith.constant 16 : i32
    %add3A_606 = vector.broadcast %add3A_605 : i32 to vector<16xi32>
    %add3A_607 = arith.addi %add3A_589, %add3A_606 : vector<16xi32>
    %add3A_608 = arith.constant 2 : i32
    %add3A_609 = vector.broadcast %add3A_608 : i32 to vector<16xi32>
    %add3A_610 = arith.addi %broadcast_in_dim3A_358, %add3A_609 : vector<16xi32>
    %shift_right_arithmetic3A_611 = arith.constant 7 : i32
    %shift_right_arithmetic3A_612 = vector.broadcast %shift_right_arithmetic3A_611 : i32 to vector<16xi32>
    %shift_right_arithmetic3A_613 = arith.shrsi %add3A_607, %shift_right_arithmetic3A_612 : vector<16xi32>
    %and3A_614 = arith.constant 127 : i32
    %and3A_615 = vector.broadcast %and3A_614 : i32 to vector<16xi32>
    %and3A_616 = arith.andi %add3A_607, %and3A_615 : vector<16xi32>
    %gather3A_617 = tpu.vector_load_idx %arg11[%add3A_610, %shift_right_arithmetic3A_613, %broadcast_in_dim3A_583, %and3A_616] : memref<8x2x8x128xi32, #tpu.memory_space<vmem>>[vector<16xi32>, vector<16xi32>, vector<16xi32>, vector<16xi32>], vector<16xi32>,
    %swap3A_618 = arith.constant 144 : index
    %swap3A_619 = tpu.vector_load %arg12[%swap3A_618] {strides = array<i32>} : memref<512xi32, #tpu.memory_space<vmem>>, vector<16xi32>,
    tpu.vector_store %arg12[%swap3A_618], %gather3A_617 {strides = array<i32>} : memref<512xi32, #tpu.memory_space<vmem>>, vector<16xi32>,
    %add3A_620 = arith.constant 32 : i32
    %add3A_621 = vector.broadcast %add3A_620 : i32 to vector<16xi32>
    %add3A_622 = arith.addi %add3A_589, %add3A_621 : vector<16xi32>
    %add3A_623 = arith.constant 2 : i32
    %add3A_624 = vector.broadcast %add3A_623 : i32 to vector<16xi32>
    %add3A_625 = arith.addi %broadcast_in_dim3A_358, %add3A_624 : vector<16xi32>
    %shift_right_arithmetic3A_626 = arith.constant 7 : i32
    %shift_right_arithmetic3A_627 = vector.broadcast %shift_right_arithmetic3A_626 : i32 to vector<16xi32>
    %shift_right_arithmetic3A_628 = arith.shrsi %add3A_622, %shift_right_arithmetic3A_627 : vector<16xi32>
    %and3A_629 = arith.constant 127 : i32
    %and3A_630 = vector.broadcast %and3A_629 : i32 to vector<16xi32>
    %and3A_631 = arith.andi %add3A_622, %and3A_630 : vector<16xi32>
    %gather3A_632 = tpu.vector_load_idx %arg11[%add3A_625, %shift_right_arithmetic3A_628, %broadcast_in_dim3A_583, %and3A_631] : memref<8x2x8x128xi32, #tpu.memory_space<vmem>>[vector<16xi32>, vector<16xi32>, vector<16xi32>, vector<16xi32>], vector<16xi32>,
    %swap3A_633 = arith.constant 160 : index
    %swap3A_634 = tpu.vector_load %arg12[%swap3A_633] {strides = array<i32>} : memref<512xi32, #tpu.memory_space<vmem>>, vector<16xi32>,
    tpu.vector_store %arg12[%swap3A_633], %gather3A_632 {strides = array<i32>} : memref<512xi32, #tpu.memory_space<vmem>>, vector<16xi32>,
    %add3A_635 = arith.constant 48 : i32
    %add3A_636 = vector.broadcast %add3A_635 : i32 to vector<16xi32>
    %add3A_637 = arith.addi %add3A_589, %add3A_636 : vector<16xi32>
    %add3A_638 = arith.constant 2 : i32
    %add3A_639 = vector.broadcast %add3A_638 : i32 to vector<16xi32>
    %add3A_640 = arith.addi %broadcast_in_dim3A_358, %add3A_639 : vector<16xi32>
    %shift_right_arithmetic3A_641 = arith.constant 7 : i32
    %shift_right_arithmetic3A_642 = vector.broadcast %shift_right_arithmetic3A_641 : i32 to vector<16xi32>
    %shift_right_arithmetic3A_643 = arith.shrsi %add3A_637, %shift_right_arithmetic3A_642 : vector<16xi32>
    %and3A_644 = arith.constant 127 : i32
    %and3A_645 = vector.broadcast %and3A_644 : i32 to vector<16xi32>
    %and3A_646 = arith.andi %add3A_637, %and3A_645 : vector<16xi32>
    %gather3A_647 = tpu.vector_load_idx %arg11[%add3A_640, %shift_right_arithmetic3A_643, %broadcast_in_dim3A_583, %and3A_646] : memref<8x2x8x128xi32, #tpu.memory_space<vmem>>[vector<16xi32>, vector<16xi32>, vector<16xi32>, vector<16xi32>], vector<16xi32>,
    %swap3A_648 = arith.constant 176 : index
    %swap3A_649 = tpu.vector_load %arg12[%swap3A_648] {strides = array<i32>} : memref<512xi32, #tpu.memory_space<vmem>>, vector<16xi32>,
    tpu.vector_store %arg12[%swap3A_648], %gather3A_647 {strides = array<i32>} : memref<512xi32, #tpu.memory_space<vmem>>, vector<16xi32>,
    %add3A_650 = arith.constant 128 : i32
    %add3A_651 = arith.addi %mul3A_360, %add3A_650 : i32
    %dma_start3A_652 = arith.constant 128 : i32
    %dma_start3A_653 = tpu.memref_slice %arg12[%dma_start3A_652] : memref<512xi32, #tpu.memory_space<vmem>> -> memref<64xi32, #tpu.memory_space<vmem>>
    %dma_start3A_654 = tpu.memref_slice %arg7[%add3A_651] : memref<8192xi32, #tpu.memory_space<hbm>> -> memref<64xi32, #tpu.memory_space<hbm>>
    %dma_start3A_655 = tpu.memref_slice %arg7[%add3A_651] : memref<8192xi32, #tpu.memory_space<hbm>> -> memref<64xi32, #tpu.memory_space<hbm>>
    %dma_start3A_656 = arith.constant 128 : i32
    %dma_start3A_657 = tpu.memref_slice %arg12[%dma_start3A_656] : memref<512xi32, #tpu.memory_space<vmem>> -> memref<64xi32, #tpu.memory_space<vmem>>
    tpu.enqueue_dma source(%dma_start3A_657 : memref<64xi32, #tpu.memory_space<vmem>>) target(%dma_start3A_655 : memref<64xi32, #tpu.memory_space<hbm>>) target_semaphore(%arg15 : memref<!tpu.dma_semaphore, #tpu.memory_space<semaphore_mem>>)
    %dma_wait3A_658 = arith.constant 3 : i32
    %dma_wait3A_659 = arith.constant 0 : i32
    %dma_wait3A_660 = arith.constant 3 : i32
    %dma_wait3A_661 = arith.constant 0 : i32
    %dma_wait3A_662 = arith.constant 0 : i32
    %dma_wait3A_663 = tpu.memref_slice %arg11[%dma_wait3A_658, %dma_wait3A_659, %dma_wait3A_661, %dma_wait3A_662] : memref<8x2x8x128xi32, #tpu.memory_space<vmem>> -> memref<1x1x8x128xi32, #tpu.memory_space<vmem>>
    %dma_wait3A_664 = tpu.memref_squeeze %dma_wait3A_663 : memref<1x1x8x128xi32, #tpu.memory_space<vmem>> -> memref<8x128xi32, #tpu.memory_space<vmem>>
    %dma_wait3A_665 = tpu.memref_slice %arg3[%multiple_of3A_164, %multiple_of3A_172] : memref<512x32768xi32, #tpu.memory_space<hbm>> -> memref<8x128xi32, #tpu.memory_space<hbm>>
    %dma_wait3A_666 = tpu.memref_slice %arg14[%dma_wait3A_660] : memref<8x!tpu.dma_semaphore, #tpu.memory_space<semaphore_mem>> -> memref<1x!tpu.dma_semaphore, #tpu.memory_space<semaphore_mem>>
    %dma_wait3A_667 = tpu.memref_squeeze %dma_wait3A_666 : memref<1x!tpu.dma_semaphore, #tpu.memory_space<semaphore_mem>> -> memref<!tpu.dma_semaphore, #tpu.memory_space<semaphore_mem>>
    %dma_wait3A_668 = arith.constant 0 : i32
    %dma_wait3A_669 = arith.constant 0 : i32
    %dma_wait3A_670 = tpu.memref_slice %arg11[%dma_wait3A_658, %dma_wait3A_659, %dma_wait3A_668, %dma_wait3A_669] : memref<8x2x8x128xi32, #tpu.memory_space<vmem>> -> memref<1x1x8x128xi32, #tpu.memory_space<vmem>>
    %dma_wait3A_671 = tpu.memref_squeeze %dma_wait3A_670 : memref<1x1x8x128xi32, #tpu.memory_space<vmem>> -> memref<8x128xi32, #tpu.memory_space<vmem>>
    %dma_wait3A_672 = tpu.memref_slice %arg3[%multiple_of3A_164, %multiple_of3A_172] : memref<512x32768xi32, #tpu.memory_space<hbm>> -> memref<8x128xi32, #tpu.memory_space<hbm>>
    tpu.wait_dma2 semaphore(%dma_wait3A_667 : memref<!tpu.dma_semaphore, #tpu.memory_space<semaphore_mem>>) src(%dma_wait3A_672 : memref<8x128xi32, #tpu.memory_space<hbm>>) dst(%dma_wait3A_671 : memref<8x128xi32, #tpu.memory_space<vmem>>)
    %convert_element_type3A_673 = arith.extui %gt3A_189 : i1 to i32
    %cond3A_674 = arith.constant 3 : i32
    %cond3A_675 = arith.constant 1 : i32
    %cond3A_676 = arith.constant 3 : i32
    %cond3A_677 = arith.constant 0 : i32
    %cond3A_678 = arith.cmpi ne, %convert_element_type3A_673, %cond3A_677 : i32
    scf.if %cond3A_678 {
      %dma_wait3A_1206 = arith.constant 0 : i32
      %dma_wait3A_1207 = arith.constant 0 : i32
      %dma_wait3A_1208 = tpu.memref_slice %arg11[%cond3A_674, %cond3A_675, %dma_wait3A_1206, %dma_wait3A_1207] : memref<8x2x8x128xi32, #tpu.memory_space<vmem>> -> memref<1x1x8x128xi32, #tpu.memory_space<vmem>>
      %dma_wait3A_1209 = tpu.memref_squeeze %dma_wait3A_1208 : memref<1x1x8x128xi32, #tpu.memory_space<vmem>> -> memref<8x128xi32, #tpu.memory_space<vmem>>
      %dma_wait3A_1210 = tpu.memref_slice %arg3[%multiple_of3A_164, %add3A_191] : memref<512x32768xi32, #tpu.memory_space<hbm>> -> memref<8x128xi32, #tpu.memory_space<hbm>>
      %dma_wait3A_1211 = tpu.memref_slice %arg14[%cond3A_676] : memref<8x!tpu.dma_semaphore, #tpu.memory_space<semaphore_mem>> -> memref<1x!tpu.dma_semaphore, #tpu.memory_space<semaphore_mem>>
      %dma_wait3A_1212 = tpu.memref_squeeze %dma_wait3A_1211 : memref<1x!tpu.dma_semaphore, #tpu.memory_space<semaphore_mem>> -> memref<!tpu.dma_semaphore, #tpu.memory_space<semaphore_mem>>
      %dma_wait3A_1213 = arith.constant 0 : i32
      %dma_wait3A_1214 = arith.constant 0 : i32
      %dma_wait3A_1215 = tpu.memref_slice %arg11[%cond3A_674, %cond3A_675, %dma_wait3A_1213, %dma_wait3A_1214] : memref<8x2x8x128xi32, #tpu.memory_space<vmem>> -> memref<1x1x8x128xi32, #tpu.memory_space<vmem>>
      %dma_wait3A_1216 = tpu.memref_squeeze %dma_wait3A_1215 : memref<1x1x8x128xi32, #tpu.memory_space<vmem>> -> memref<8x128xi32, #tpu.memory_space<vmem>>
      %dma_wait3A_1217 = tpu.memref_slice %arg3[%multiple_of3A_164, %add3A_191] : memref<512x32768xi32, #tpu.memory_space<hbm>> -> memref<8x128xi32, #tpu.memory_space<hbm>>
      tpu.wait_dma2 semaphore(%dma_wait3A_1212 : memref<!tpu.dma_semaphore, #tpu.memory_space<semaphore_mem>>) src(%dma_wait3A_1217 : memref<8x128xi32, #tpu.memory_space<hbm>>) dst(%dma_wait3A_1216 : memref<8x128xi32, #tpu.memory_space<vmem>>)
    } else {
    }
    %slice3A_679 = vector.extract_strided_slice %get3A_39 {offsets = [3], sizes = [1], strides = [1]} : vector<16xi32> to vector<1xi32>
    %squeeze3A_680 = vector.extract %slice3A_679[0] : i32 from vector<1xi32>
    %and3A_681 = arith.constant 7 : i32
    %and3A_682 = arith.andi %squeeze3A_680, %and3A_681 : i32
    %broadcast_in_dim3A_683 = vector.broadcast %and3A_682 : i32 to vector<16xi32>
    %slice3A_684 = vector.extract_strided_slice %add3A_43 {offsets = [3], sizes = [1], strides = [1]} : vector<16xi32> to vector<1xi32>
    %squeeze3A_685 = vector.extract %slice3A_684[0] : i32 from vector<1xi32>
    %and3A_686 = arith.constant 127 : i32
    %and3A_687 = arith.andi %squeeze3A_685, %and3A_686 : i32
    %broadcast_in_dim3A_688 = vector.broadcast %and3A_687 : i32 to vector<16xi32>
    %add3A_689 = arith.addi %broadcast_in_dim3A_688, %iota3A : vector<16xi32>
    %add3A_690 = arith.constant 0 : i32
    %add3A_691 = vector.broadcast %add3A_690 : i32 to vector<16xi32>
    %add3A_692 = arith.addi %add3A_689, %add3A_691 : vector<16xi32>
    %add3A_693 = arith.constant 3 : i32
    %add3A_694 = vector.broadcast %add3A_693 : i32 to vector<16xi32>
    %add3A_695 = arith.addi %broadcast_in_dim3A_358, %add3A_694 : vector<16xi32>
    %shift_right_arithmetic3A_696 = arith.constant 7 : i32
    %shift_right_arithmetic3A_697 = vector.broadcast %shift_right_arithmetic3A_696 : i32 to vector<16xi32>
    %shift_right_arithmetic3A_698 = arith.shrsi %add3A_692, %shift_right_arithmetic3A_697 : vector<16xi32>
    %and3A_699 = arith.constant 127 : i32
    %and3A_700 = vector.broadcast %and3A_699 : i32 to vector<16xi32>
    %and3A_701 = arith.andi %add3A_692, %and3A_700 : vector<16xi32>
    %gather3A_702 = tpu.vector_load_idx %arg11[%add3A_695, %shift_right_arithmetic3A_698, %broadcast_in_dim3A_683, %and3A_701] : memref<8x2x8x128xi32, #tpu.memory_space<vmem>>[vector<16xi32>, vector<16xi32>, vector<16xi32>, vector<16xi32>], vector<16xi32>,
    %swap3A_703 = arith.constant 192 : index
    %swap3A_704 = tpu.vector_load %arg12[%swap3A_703] {strides = array<i32>} : memref<512xi32, #tpu.memory_space<vmem>>, vector<16xi32>,
    tpu.vector_store %arg12[%swap3A_703], %gather3A_702 {strides = array<i32>} : memref<512xi32, #tpu.memory_space<vmem>>, vector<16xi32>,
    %add3A_705 = arith.constant 16 : i32
    %add3A_706 = vector.broadcast %add3A_705 : i32 to vector<16xi32>
    %add3A_707 = arith.addi %add3A_689, %add3A_706 : vector<16xi32>
    %add3A_708 = arith.constant 3 : i32
    %add3A_709 = vector.broadcast %add3A_708 : i32 to vector<16xi32>
    %add3A_710 = arith.addi %broadcast_in_dim3A_358, %add3A_709 : vector<16xi32>
    %shift_right_arithmetic3A_711 = arith.constant 7 : i32
    %shift_right_arithmetic3A_712 = vector.broadcast %shift_right_arithmetic3A_711 : i32 to vector<16xi32>
    %shift_right_arithmetic3A_713 = arith.shrsi %add3A_707, %shift_right_arithmetic3A_712 : vector<16xi32>
    %and3A_714 = arith.constant 127 : i32
    %and3A_715 = vector.broadcast %and3A_714 : i32 to vector<16xi32>
    %and3A_716 = arith.andi %add3A_707, %and3A_715 : vector<16xi32>
    %gather3A_717 = tpu.vector_load_idx %arg11[%add3A_710, %shift_right_arithmetic3A_713, %broadcast_in_dim3A_683, %and3A_716] : memref<8x2x8x128xi32, #tpu.memory_space<vmem>>[vector<16xi32>, vector<16xi32>, vector<16xi32>, vector<16xi32>], vector<16xi32>,
    %swap3A_718 = arith.constant 208 : index
    %swap3A_719 = tpu.vector_load %arg12[%swap3A_718] {strides = array<i32>} : memref<512xi32, #tpu.memory_space<vmem>>, vector<16xi32>,
    tpu.vector_store %arg12[%swap3A_718], %gather3A_717 {strides = array<i32>} : memref<512xi32, #tpu.memory_space<vmem>>, vector<16xi32>,
    %add3A_720 = arith.constant 32 : i32
    %add3A_721 = vector.broadcast %add3A_720 : i32 to vector<16xi32>
    %add3A_722 = arith.addi %add3A_689, %add3A_721 : vector<16xi32>
    %add3A_723 = arith.constant 3 : i32
    %add3A_724 = vector.broadcast %add3A_723 : i32 to vector<16xi32>
    %add3A_725 = arith.addi %broadcast_in_dim3A_358, %add3A_724 : vector<16xi32>
    %shift_right_arithmetic3A_726 = arith.constant 7 : i32
    %shift_right_arithmetic3A_727 = vector.broadcast %shift_right_arithmetic3A_726 : i32 to vector<16xi32>
    %shift_right_arithmetic3A_728 = arith.shrsi %add3A_722, %shift_right_arithmetic3A_727 : vector<16xi32>
    %and3A_729 = arith.constant 127 : i32
    %and3A_730 = vector.broadcast %and3A_729 : i32 to vector<16xi32>
    %and3A_731 = arith.andi %add3A_722, %and3A_730 : vector<16xi32>
    %gather3A_732 = tpu.vector_load_idx %arg11[%add3A_725, %shift_right_arithmetic3A_728, %broadcast_in_dim3A_683, %and3A_731] : memref<8x2x8x128xi32, #tpu.memory_space<vmem>>[vector<16xi32>, vector<16xi32>, vector<16xi32>, vector<16xi32>], vector<16xi32>,
    %swap3A_733 = arith.constant 224 : index
    %swap3A_734 = tpu.vector_load %arg12[%swap3A_733] {strides = array<i32>} : memref<512xi32, #tpu.memory_space<vmem>>, vector<16xi32>,
    tpu.vector_store %arg12[%swap3A_733], %gather3A_732 {strides = array<i32>} : memref<512xi32, #tpu.memory_space<vmem>>, vector<16xi32>,
    %add3A_735 = arith.constant 48 : i32
    %add3A_736 = vector.broadcast %add3A_735 : i32 to vector<16xi32>
    %add3A_737 = arith.addi %add3A_689, %add3A_736 : vector<16xi32>
    %add3A_738 = arith.constant 3 : i32
    %add3A_739 = vector.broadcast %add3A_738 : i32 to vector<16xi32>
    %add3A_740 = arith.addi %broadcast_in_dim3A_358, %add3A_739 : vector<16xi32>
    %shift_right_arithmetic3A_741 = arith.constant 7 : i32
    %shift_right_arithmetic3A_742 = vector.broadcast %shift_right_arithmetic3A_741 : i32 to vector<16xi32>
    %shift_right_arithmetic3A_743 = arith.shrsi %add3A_737, %shift_right_arithmetic3A_742 : vector<16xi32>
    %and3A_744 = arith.constant 127 : i32
    %and3A_745 = vector.broadcast %and3A_744 : i32 to vector<16xi32>
    %and3A_746 = arith.andi %add3A_737, %and3A_745 : vector<16xi32>
    %gather3A_747 = tpu.vector_load_idx %arg11[%add3A_740, %shift_right_arithmetic3A_743, %broadcast_in_dim3A_683, %and3A_746] : memref<8x2x8x128xi32, #tpu.memory_space<vmem>>[vector<16xi32>, vector<16xi32>, vector<16xi32>, vector<16xi32>], vector<16xi32>,
    %swap3A_748 = arith.constant 240 : index
    %swap3A_749 = tpu.vector_load %arg12[%swap3A_748] {strides = array<i32>} : memref<512xi32, #tpu.memory_space<vmem>>, vector<16xi32>,
    tpu.vector_store %arg12[%swap3A_748], %gather3A_747 {strides = array<i32>} : memref<512xi32, #tpu.memory_space<vmem>>, vector<16xi32>,
    %add3A_750 = arith.constant 192 : i32
    %add3A_751 = arith.addi %mul3A_360, %add3A_750 : i32
    %dma_start3A_752 = arith.constant 192 : i32
    %dma_start3A_753 = tpu.memref_slice %arg12[%dma_start3A_752] : memref<512xi32, #tpu.memory_space<vmem>> -> memref<64xi32, #tpu.memory_space<vmem>>
    %dma_start3A_754 = tpu.memref_slice %arg7[%add3A_751] : memref<8192xi32, #tpu.memory_space<hbm>> -> memref<64xi32, #tpu.memory_space<hbm>>
    %dma_start3A_755 = tpu.memref_slice %arg7[%add3A_751] : memref<8192xi32, #tpu.memory_space<hbm>> -> memref<64xi32, #tpu.memory_space<hbm>>
    %dma_start3A_756 = arith.constant 192 : i32
    %dma_start3A_757 = tpu.memref_slice %arg12[%dma_start3A_756] : memref<512xi32, #tpu.memory_space<vmem>> -> memref<64xi32, #tpu.memory_space<vmem>>
    tpu.enqueue_dma source(%dma_start3A_757 : memref<64xi32, #tpu.memory_space<vmem>>) target(%dma_start3A_755 : memref<64xi32, #tpu.memory_space<hbm>>) target_semaphore(%arg15 : memref<!tpu.dma_semaphore, #tpu.memory_space<semaphore_mem>>)
    %dma_wait3A_758 = arith.constant 4 : i32
    %dma_wait3A_759 = arith.constant 0 : i32
    %dma_wait3A_760 = arith.constant 4 : i32
    %dma_wait3A_761 = arith.constant 0 : i32
    %dma_wait3A_762 = arith.constant 0 : i32
    %dma_wait3A_763 = tpu.memref_slice %arg11[%dma_wait3A_758, %dma_wait3A_759, %dma_wait3A_761, %dma_wait3A_762] : memref<8x2x8x128xi32, #tpu.memory_space<vmem>> -> memref<1x1x8x128xi32, #tpu.memory_space<vmem>>
    %dma_wait3A_764 = tpu.memref_squeeze %dma_wait3A_763 : memref<1x1x8x128xi32, #tpu.memory_space<vmem>> -> memref<8x128xi32, #tpu.memory_space<vmem>>
    %dma_wait3A_765 = tpu.memref_slice %arg3[%multiple_of3A_204, %multiple_of3A_212] : memref<512x32768xi32, #tpu.memory_space<hbm>> -> memref<8x128xi32, #tpu.memory_space<hbm>>
    %dma_wait3A_766 = tpu.memref_slice %arg14[%dma_wait3A_760] : memref<8x!tpu.dma_semaphore, #tpu.memory_space<semaphore_mem>> -> memref<1x!tpu.dma_semaphore, #tpu.memory_space<semaphore_mem>>
    %dma_wait3A_767 = tpu.memref_squeeze %dma_wait3A_766 : memref<1x!tpu.dma_semaphore, #tpu.memory_space<semaphore_mem>> -> memref<!tpu.dma_semaphore, #tpu.memory_space<semaphore_mem>>
    %dma_wait3A_768 = arith.constant 0 : i32
    %dma_wait3A_769 = arith.constant 0 : i32
    %dma_wait3A_770 = tpu.memref_slice %arg11[%dma_wait3A_758, %dma_wait3A_759, %dma_wait3A_768, %dma_wait3A_769] : memref<8x2x8x128xi32, #tpu.memory_space<vmem>> -> memref<1x1x8x128xi32, #tpu.memory_space<vmem>>
    %dma_wait3A_771 = tpu.memref_squeeze %dma_wait3A_770 : memref<1x1x8x128xi32, #tpu.memory_space<vmem>> -> memref<8x128xi32, #tpu.memory_space<vmem>>
    %dma_wait3A_772 = tpu.memref_slice %arg3[%multiple_of3A_204, %multiple_of3A_212] : memref<512x32768xi32, #tpu.memory_space<hbm>> -> memref<8x128xi32, #tpu.memory_space<hbm>>
    tpu.wait_dma2 semaphore(%dma_wait3A_767 : memref<!tpu.dma_semaphore, #tpu.memory_space<semaphore_mem>>) src(%dma_wait3A_772 : memref<8x128xi32, #tpu.memory_space<hbm>>) dst(%dma_wait3A_771 : memref<8x128xi32, #tpu.memory_space<vmem>>)
    %convert_element_type3A_773 = arith.extui %gt3A_229 : i1 to i32
    %cond3A_774 = arith.constant 4 : i32
    %cond3A_775 = arith.constant 1 : i32
    %cond3A_776 = arith.constant 4 : i32
    %cond3A_777 = arith.constant 0 : i32
    %cond3A_778 = arith.cmpi ne, %convert_element_type3A_773, %cond3A_777 : i32
    scf.if %cond3A_778 {
      %dma_wait3A_1206 = arith.constant 0 : i32
      %dma_wait3A_1207 = arith.constant 0 : i32
      %dma_wait3A_1208 = tpu.memref_slice %arg11[%cond3A_774, %cond3A_775, %dma_wait3A_1206, %dma_wait3A_1207] : memref<8x2x8x128xi32, #tpu.memory_space<vmem>> -> memref<1x1x8x128xi32, #tpu.memory_space<vmem>>
      %dma_wait3A_1209 = tpu.memref_squeeze %dma_wait3A_1208 : memref<1x1x8x128xi32, #tpu.memory_space<vmem>> -> memref<8x128xi32, #tpu.memory_space<vmem>>
      %dma_wait3A_1210 = tpu.memref_slice %arg3[%multiple_of3A_204, %add3A_231] : memref<512x32768xi32, #tpu.memory_space<hbm>> -> memref<8x128xi32, #tpu.memory_space<hbm>>
      %dma_wait3A_1211 = tpu.memref_slice %arg14[%cond3A_776] : memref<8x!tpu.dma_semaphore, #tpu.memory_space<semaphore_mem>> -> memref<1x!tpu.dma_semaphore, #tpu.memory_space<semaphore_mem>>
      %dma_wait3A_1212 = tpu.memref_squeeze %dma_wait3A_1211 : memref<1x!tpu.dma_semaphore, #tpu.memory_space<semaphore_mem>> -> memref<!tpu.dma_semaphore, #tpu.memory_space<semaphore_mem>>
      %dma_wait3A_1213 = arith.constant 0 : i32
      %dma_wait3A_1214 = arith.constant 0 : i32
      %dma_wait3A_1215 = tpu.memref_slice %arg11[%cond3A_774, %cond3A_775, %dma_wait3A_1213, %dma_wait3A_1214] : memref<8x2x8x128xi32, #tpu.memory_space<vmem>> -> memref<1x1x8x128xi32, #tpu.memory_space<vmem>>
      %dma_wait3A_1216 = tpu.memref_squeeze %dma_wait3A_1215 : memref<1x1x8x128xi32, #tpu.memory_space<vmem>> -> memref<8x128xi32, #tpu.memory_space<vmem>>
      %dma_wait3A_1217 = tpu.memref_slice %arg3[%multiple_of3A_204, %add3A_231] : memref<512x32768xi32, #tpu.memory_space<hbm>> -> memref<8x128xi32, #tpu.memory_space<hbm>>
      tpu.wait_dma2 semaphore(%dma_wait3A_1212 : memref<!tpu.dma_semaphore, #tpu.memory_space<semaphore_mem>>) src(%dma_wait3A_1217 : memref<8x128xi32, #tpu.memory_space<hbm>>) dst(%dma_wait3A_1216 : memref<8x128xi32, #tpu.memory_space<vmem>>)
    } else {
    }
    %slice3A_779 = vector.extract_strided_slice %get3A_39 {offsets = [4], sizes = [1], strides = [1]} : vector<16xi32> to vector<1xi32>
    %squeeze3A_780 = vector.extract %slice3A_779[0] : i32 from vector<1xi32>
    %and3A_781 = arith.constant 7 : i32
    %and3A_782 = arith.andi %squeeze3A_780, %and3A_781 : i32
    %broadcast_in_dim3A_783 = vector.broadcast %and3A_782 : i32 to vector<16xi32>
    %slice3A_784 = vector.extract_strided_slice %add3A_43 {offsets = [4], sizes = [1], strides = [1]} : vector<16xi32> to vector<1xi32>
    %squeeze3A_785 = vector.extract %slice3A_784[0] : i32 from vector<1xi32>
    %and3A_786 = arith.constant 127 : i32
    %and3A_787 = arith.andi %squeeze3A_785, %and3A_786 : i32
    %broadcast_in_dim3A_788 = vector.broadcast %and3A_787 : i32 to vector<16xi32>
    %add3A_789 = arith.addi %broadcast_in_dim3A_788, %iota3A : vector<16xi32>
    %add3A_790 = arith.constant 0 : i32
    %add3A_791 = vector.broadcast %add3A_790 : i32 to vector<16xi32>
    %add3A_792 = arith.addi %add3A_789, %add3A_791 : vector<16xi32>
    %add3A_793 = arith.constant 4 : i32
    %add3A_794 = vector.broadcast %add3A_793 : i32 to vector<16xi32>
    %add3A_795 = arith.addi %broadcast_in_dim3A_358, %add3A_794 : vector<16xi32>
    %shift_right_arithmetic3A_796 = arith.constant 7 : i32
    %shift_right_arithmetic3A_797 = vector.broadcast %shift_right_arithmetic3A_796 : i32 to vector<16xi32>
    %shift_right_arithmetic3A_798 = arith.shrsi %add3A_792, %shift_right_arithmetic3A_797 : vector<16xi32>
    %and3A_799 = arith.constant 127 : i32
    %and3A_800 = vector.broadcast %and3A_799 : i32 to vector<16xi32>
    %and3A_801 = arith.andi %add3A_792, %and3A_800 : vector<16xi32>
    %gather3A_802 = tpu.vector_load_idx %arg11[%add3A_795, %shift_right_arithmetic3A_798, %broadcast_in_dim3A_783, %and3A_801] : memref<8x2x8x128xi32, #tpu.memory_space<vmem>>[vector<16xi32>, vector<16xi32>, vector<16xi32>, vector<16xi32>], vector<16xi32>,
    %swap3A_803 = arith.constant 256 : index
    %swap3A_804 = tpu.vector_load %arg12[%swap3A_803] {strides = array<i32>} : memref<512xi32, #tpu.memory_space<vmem>>, vector<16xi32>,
    tpu.vector_store %arg12[%swap3A_803], %gather3A_802 {strides = array<i32>} : memref<512xi32, #tpu.memory_space<vmem>>, vector<16xi32>,
    %add3A_805 = arith.constant 16 : i32
    %add3A_806 = vector.broadcast %add3A_805 : i32 to vector<16xi32>
    %add3A_807 = arith.addi %add3A_789, %add3A_806 : vector<16xi32>
    %add3A_808 = arith.constant 4 : i32
    %add3A_809 = vector.broadcast %add3A_808 : i32 to vector<16xi32>
    %add3A_810 = arith.addi %broadcast_in_dim3A_358, %add3A_809 : vector<16xi32>
    %shift_right_arithmetic3A_811 = arith.constant 7 : i32
    %shift_right_arithmetic3A_812 = vector.broadcast %shift_right_arithmetic3A_811 : i32 to vector<16xi32>
    %shift_right_arithmetic3A_813 = arith.shrsi %add3A_807, %shift_right_arithmetic3A_812 : vector<16xi32>
    %and3A_814 = arith.constant 127 : i32
    %and3A_815 = vector.broadcast %and3A_814 : i32 to vector<16xi32>
    %and3A_816 = arith.andi %add3A_807, %and3A_815 : vector<16xi32>
    %gather3A_817 = tpu.vector_load_idx %arg11[%add3A_810, %shift_right_arithmetic3A_813, %broadcast_in_dim3A_783, %and3A_816] : memref<8x2x8x128xi32, #tpu.memory_space<vmem>>[vector<16xi32>, vector<16xi32>, vector<16xi32>, vector<16xi32>], vector<16xi32>,
    %swap3A_818 = arith.constant 272 : index
    %swap3A_819 = tpu.vector_load %arg12[%swap3A_818] {strides = array<i32>} : memref<512xi32, #tpu.memory_space<vmem>>, vector<16xi32>,
    tpu.vector_store %arg12[%swap3A_818], %gather3A_817 {strides = array<i32>} : memref<512xi32, #tpu.memory_space<vmem>>, vector<16xi32>,
    %add3A_820 = arith.constant 32 : i32
    %add3A_821 = vector.broadcast %add3A_820 : i32 to vector<16xi32>
    %add3A_822 = arith.addi %add3A_789, %add3A_821 : vector<16xi32>
    %add3A_823 = arith.constant 4 : i32
    %add3A_824 = vector.broadcast %add3A_823 : i32 to vector<16xi32>
    %add3A_825 = arith.addi %broadcast_in_dim3A_358, %add3A_824 : vector<16xi32>
    %shift_right_arithmetic3A_826 = arith.constant 7 : i32
    %shift_right_arithmetic3A_827 = vector.broadcast %shift_right_arithmetic3A_826 : i32 to vector<16xi32>
    %shift_right_arithmetic3A_828 = arith.shrsi %add3A_822, %shift_right_arithmetic3A_827 : vector<16xi32>
    %and3A_829 = arith.constant 127 : i32
    %and3A_830 = vector.broadcast %and3A_829 : i32 to vector<16xi32>
    %and3A_831 = arith.andi %add3A_822, %and3A_830 : vector<16xi32>
    %gather3A_832 = tpu.vector_load_idx %arg11[%add3A_825, %shift_right_arithmetic3A_828, %broadcast_in_dim3A_783, %and3A_831] : memref<8x2x8x128xi32, #tpu.memory_space<vmem>>[vector<16xi32>, vector<16xi32>, vector<16xi32>, vector<16xi32>], vector<16xi32>,
    %swap3A_833 = arith.constant 288 : index
    %swap3A_834 = tpu.vector_load %arg12[%swap3A_833] {strides = array<i32>} : memref<512xi32, #tpu.memory_space<vmem>>, vector<16xi32>,
    tpu.vector_store %arg12[%swap3A_833], %gather3A_832 {strides = array<i32>} : memref<512xi32, #tpu.memory_space<vmem>>, vector<16xi32>,
    %add3A_835 = arith.constant 48 : i32
    %add3A_836 = vector.broadcast %add3A_835 : i32 to vector<16xi32>
    %add3A_837 = arith.addi %add3A_789, %add3A_836 : vector<16xi32>
    %add3A_838 = arith.constant 4 : i32
    %add3A_839 = vector.broadcast %add3A_838 : i32 to vector<16xi32>
    %add3A_840 = arith.addi %broadcast_in_dim3A_358, %add3A_839 : vector<16xi32>
    %shift_right_arithmetic3A_841 = arith.constant 7 : i32
    %shift_right_arithmetic3A_842 = vector.broadcast %shift_right_arithmetic3A_841 : i32 to vector<16xi32>
    %shift_right_arithmetic3A_843 = arith.shrsi %add3A_837, %shift_right_arithmetic3A_842 : vector<16xi32>
    %and3A_844 = arith.constant 127 : i32
    %and3A_845 = vector.broadcast %and3A_844 : i32 to vector<16xi32>
    %and3A_846 = arith.andi %add3A_837, %and3A_845 : vector<16xi32>
    %gather3A_847 = tpu.vector_load_idx %arg11[%add3A_840, %shift_right_arithmetic3A_843, %broadcast_in_dim3A_783, %and3A_846] : memref<8x2x8x128xi32, #tpu.memory_space<vmem>>[vector<16xi32>, vector<16xi32>, vector<16xi32>, vector<16xi32>], vector<16xi32>,
    %swap3A_848 = arith.constant 304 : index
    %swap3A_849 = tpu.vector_load %arg12[%swap3A_848] {strides = array<i32>} : memref<512xi32, #tpu.memory_space<vmem>>, vector<16xi32>,
    tpu.vector_store %arg12[%swap3A_848], %gather3A_847 {strides = array<i32>} : memref<512xi32, #tpu.memory_space<vmem>>, vector<16xi32>,
    %add3A_850 = arith.constant 256 : i32
    %add3A_851 = arith.addi %mul3A_360, %add3A_850 : i32
    %dma_start3A_852 = arith.constant 256 : i32
    %dma_start3A_853 = tpu.memref_slice %arg12[%dma_start3A_852] : memref<512xi32, #tpu.memory_space<vmem>> -> memref<64xi32, #tpu.memory_space<vmem>>
    %dma_start3A_854 = tpu.memref_slice %arg7[%add3A_851] : memref<8192xi32, #tpu.memory_space<hbm>> -> memref<64xi32, #tpu.memory_space<hbm>>
    %dma_start3A_855 = tpu.memref_slice %arg7[%add3A_851] : memref<8192xi32, #tpu.memory_space<hbm>> -> memref<64xi32, #tpu.memory_space<hbm>>
    %dma_start3A_856 = arith.constant 256 : i32
    %dma_start3A_857 = tpu.memref_slice %arg12[%dma_start3A_856] : memref<512xi32, #tpu.memory_space<vmem>> -> memref<64xi32, #tpu.memory_space<vmem>>
    tpu.enqueue_dma source(%dma_start3A_857 : memref<64xi32, #tpu.memory_space<vmem>>) target(%dma_start3A_855 : memref<64xi32, #tpu.memory_space<hbm>>) target_semaphore(%arg15 : memref<!tpu.dma_semaphore, #tpu.memory_space<semaphore_mem>>)
    %dma_wait3A_858 = arith.constant 5 : i32
    %dma_wait3A_859 = arith.constant 0 : i32
    %dma_wait3A_860 = arith.constant 5 : i32
    %dma_wait3A_861 = arith.constant 0 : i32
    %dma_wait3A_862 = arith.constant 0 : i32
    %dma_wait3A_863 = tpu.memref_slice %arg11[%dma_wait3A_858, %dma_wait3A_859, %dma_wait3A_861, %dma_wait3A_862] : memref<8x2x8x128xi32, #tpu.memory_space<vmem>> -> memref<1x1x8x128xi32, #tpu.memory_space<vmem>>
    %dma_wait3A_864 = tpu.memref_squeeze %dma_wait3A_863 : memref<1x1x8x128xi32, #tpu.memory_space<vmem>> -> memref<8x128xi32, #tpu.memory_space<vmem>>
    %dma_wait3A_865 = tpu.memref_slice %arg3[%multiple_of3A_244, %multiple_of3A_252] : memref<512x32768xi32, #tpu.memory_space<hbm>> -> memref<8x128xi32, #tpu.memory_space<hbm>>
    %dma_wait3A_866 = tpu.memref_slice %arg14[%dma_wait3A_860] : memref<8x!tpu.dma_semaphore, #tpu.memory_space<semaphore_mem>> -> memref<1x!tpu.dma_semaphore, #tpu.memory_space<semaphore_mem>>
    %dma_wait3A_867 = tpu.memref_squeeze %dma_wait3A_866 : memref<1x!tpu.dma_semaphore, #tpu.memory_space<semaphore_mem>> -> memref<!tpu.dma_semaphore, #tpu.memory_space<semaphore_mem>>
    %dma_wait3A_868 = arith.constant 0 : i32
    %dma_wait3A_869 = arith.constant 0 : i32
    %dma_wait3A_870 = tpu.memref_slice %arg11[%dma_wait3A_858, %dma_wait3A_859, %dma_wait3A_868, %dma_wait3A_869] : memref<8x2x8x128xi32, #tpu.memory_space<vmem>> -> memref<1x1x8x128xi32, #tpu.memory_space<vmem>>
    %dma_wait3A_871 = tpu.memref_squeeze %dma_wait3A_870 : memref<1x1x8x128xi32, #tpu.memory_space<vmem>> -> memref<8x128xi32, #tpu.memory_space<vmem>>
    %dma_wait3A_872 = tpu.memref_slice %arg3[%multiple_of3A_244, %multiple_of3A_252] : memref<512x32768xi32, #tpu.memory_space<hbm>> -> memref<8x128xi32, #tpu.memory_space<hbm>>
    tpu.wait_dma2 semaphore(%dma_wait3A_867 : memref<!tpu.dma_semaphore, #tpu.memory_space<semaphore_mem>>) src(%dma_wait3A_872 : memref<8x128xi32, #tpu.memory_space<hbm>>) dst(%dma_wait3A_871 : memref<8x128xi32, #tpu.memory_space<vmem>>)
    %convert_element_type3A_873 = arith.extui %gt3A_269 : i1 to i32
    %cond3A_874 = arith.constant 5 : i32
    %cond3A_875 = arith.constant 1 : i32
    %cond3A_876 = arith.constant 5 : i32
    %cond3A_877 = arith.constant 0 : i32
    %cond3A_878 = arith.cmpi ne, %convert_element_type3A_873, %cond3A_877 : i32
    scf.if %cond3A_878 {
      %dma_wait3A_1206 = arith.constant 0 : i32
      %dma_wait3A_1207 = arith.constant 0 : i32
      %dma_wait3A_1208 = tpu.memref_slice %arg11[%cond3A_874, %cond3A_875, %dma_wait3A_1206, %dma_wait3A_1207] : memref<8x2x8x128xi32, #tpu.memory_space<vmem>> -> memref<1x1x8x128xi32, #tpu.memory_space<vmem>>
      %dma_wait3A_1209 = tpu.memref_squeeze %dma_wait3A_1208 : memref<1x1x8x128xi32, #tpu.memory_space<vmem>> -> memref<8x128xi32, #tpu.memory_space<vmem>>
      %dma_wait3A_1210 = tpu.memref_slice %arg3[%multiple_of3A_244, %add3A_271] : memref<512x32768xi32, #tpu.memory_space<hbm>> -> memref<8x128xi32, #tpu.memory_space<hbm>>
      %dma_wait3A_1211 = tpu.memref_slice %arg14[%cond3A_876] : memref<8x!tpu.dma_semaphore, #tpu.memory_space<semaphore_mem>> -> memref<1x!tpu.dma_semaphore, #tpu.memory_space<semaphore_mem>>
      %dma_wait3A_1212 = tpu.memref_squeeze %dma_wait3A_1211 : memref<1x!tpu.dma_semaphore, #tpu.memory_space<semaphore_mem>> -> memref<!tpu.dma_semaphore, #tpu.memory_space<semaphore_mem>>
      %dma_wait3A_1213 = arith.constant 0 : i32
      %dma_wait3A_1214 = arith.constant 0 : i32
      %dma_wait3A_1215 = tpu.memref_slice %arg11[%cond3A_874, %cond3A_875, %dma_wait3A_1213, %dma_wait3A_1214] : memref<8x2x8x128xi32, #tpu.memory_space<vmem>> -> memref<1x1x8x128xi32, #tpu.memory_space<vmem>>
      %dma_wait3A_1216 = tpu.memref_squeeze %dma_wait3A_1215 : memref<1x1x8x128xi32, #tpu.memory_space<vmem>> -> memref<8x128xi32, #tpu.memory_space<vmem>>
      %dma_wait3A_1217 = tpu.memref_slice %arg3[%multiple_of3A_244, %add3A_271] : memref<512x32768xi32, #tpu.memory_space<hbm>> -> memref<8x128xi32, #tpu.memory_space<hbm>>
      tpu.wait_dma2 semaphore(%dma_wait3A_1212 : memref<!tpu.dma_semaphore, #tpu.memory_space<semaphore_mem>>) src(%dma_wait3A_1217 : memref<8x128xi32, #tpu.memory_space<hbm>>) dst(%dma_wait3A_1216 : memref<8x128xi32, #tpu.memory_space<vmem>>)
    } else {
    }
    %slice3A_879 = vector.extract_strided_slice %get3A_39 {offsets = [5], sizes = [1], strides = [1]} : vector<16xi32> to vector<1xi32>
    %squeeze3A_880 = vector.extract %slice3A_879[0] : i32 from vector<1xi32>
    %and3A_881 = arith.constant 7 : i32
    %and3A_882 = arith.andi %squeeze3A_880, %and3A_881 : i32
    %broadcast_in_dim3A_883 = vector.broadcast %and3A_882 : i32 to vector<16xi32>
    %slice3A_884 = vector.extract_strided_slice %add3A_43 {offsets = [5], sizes = [1], strides = [1]} : vector<16xi32> to vector<1xi32>
    %squeeze3A_885 = vector.extract %slice3A_884[0] : i32 from vector<1xi32>
    %and3A_886 = arith.constant 127 : i32
    %and3A_887 = arith.andi %squeeze3A_885, %and3A_886 : i32
    %broadcast_in_dim3A_888 = vector.broadcast %and3A_887 : i32 to vector<16xi32>
    %add3A_889 = arith.addi %broadcast_in_dim3A_888, %iota3A : vector<16xi32>
    %add3A_890 = arith.constant 0 : i32
    %add3A_891 = vector.broadcast %add3A_890 : i32 to vector<16xi32>
    %add3A_892 = arith.addi %add3A_889, %add3A_891 : vector<16xi32>
    %add3A_893 = arith.constant 5 : i32
    %add3A_894 = vector.broadcast %add3A_893 : i32 to vector<16xi32>
    %add3A_895 = arith.addi %broadcast_in_dim3A_358, %add3A_894 : vector<16xi32>
    %shift_right_arithmetic3A_896 = arith.constant 7 : i32
    %shift_right_arithmetic3A_897 = vector.broadcast %shift_right_arithmetic3A_896 : i32 to vector<16xi32>
    %shift_right_arithmetic3A_898 = arith.shrsi %add3A_892, %shift_right_arithmetic3A_897 : vector<16xi32>
    %and3A_899 = arith.constant 127 : i32
    %and3A_900 = vector.broadcast %and3A_899 : i32 to vector<16xi32>
    %and3A_901 = arith.andi %add3A_892, %and3A_900 : vector<16xi32>
    %gather3A_902 = tpu.vector_load_idx %arg11[%add3A_895, %shift_right_arithmetic3A_898, %broadcast_in_dim3A_883, %and3A_901] : memref<8x2x8x128xi32, #tpu.memory_space<vmem>>[vector<16xi32>, vector<16xi32>, vector<16xi32>, vector<16xi32>], vector<16xi32>,
    %swap3A_903 = arith.constant 320 : index
    %swap3A_904 = tpu.vector_load %arg12[%swap3A_903] {strides = array<i32>} : memref<512xi32, #tpu.memory_space<vmem>>, vector<16xi32>,
    tpu.vector_store %arg12[%swap3A_903], %gather3A_902 {strides = array<i32>} : memref<512xi32, #tpu.memory_space<vmem>>, vector<16xi32>,
    %add3A_905 = arith.constant 16 : i32
    %add3A_906 = vector.broadcast %add3A_905 : i32 to vector<16xi32>
    %add3A_907 = arith.addi %add3A_889, %add3A_906 : vector<16xi32>
    %add3A_908 = arith.constant 5 : i32
    %add3A_909 = vector.broadcast %add3A_908 : i32 to vector<16xi32>
    %add3A_910 = arith.addi %broadcast_in_dim3A_358, %add3A_909 : vector<16xi32>
    %shift_right_arithmetic3A_911 = arith.constant 7 : i32
    %shift_right_arithmetic3A_912 = vector.broadcast %shift_right_arithmetic3A_911 : i32 to vector<16xi32>
    %shift_right_arithmetic3A_913 = arith.shrsi %add3A_907, %shift_right_arithmetic3A_912 : vector<16xi32>
    %and3A_914 = arith.constant 127 : i32
    %and3A_915 = vector.broadcast %and3A_914 : i32 to vector<16xi32>
    %and3A_916 = arith.andi %add3A_907, %and3A_915 : vector<16xi32>
    %gather3A_917 = tpu.vector_load_idx %arg11[%add3A_910, %shift_right_arithmetic3A_913, %broadcast_in_dim3A_883, %and3A_916] : memref<8x2x8x128xi32, #tpu.memory_space<vmem>>[vector<16xi32>, vector<16xi32>, vector<16xi32>, vector<16xi32>], vector<16xi32>,
    %swap3A_918 = arith.constant 336 : index
    %swap3A_919 = tpu.vector_load %arg12[%swap3A_918] {strides = array<i32>} : memref<512xi32, #tpu.memory_space<vmem>>, vector<16xi32>,
    tpu.vector_store %arg12[%swap3A_918], %gather3A_917 {strides = array<i32>} : memref<512xi32, #tpu.memory_space<vmem>>, vector<16xi32>,
    %add3A_920 = arith.constant 32 : i32
    %add3A_921 = vector.broadcast %add3A_920 : i32 to vector<16xi32>
    %add3A_922 = arith.addi %add3A_889, %add3A_921 : vector<16xi32>
    %add3A_923 = arith.constant 5 : i32
    %add3A_924 = vector.broadcast %add3A_923 : i32 to vector<16xi32>
    %add3A_925 = arith.addi %broadcast_in_dim3A_358, %add3A_924 : vector<16xi32>
    %shift_right_arithmetic3A_926 = arith.constant 7 : i32
    %shift_right_arithmetic3A_927 = vector.broadcast %shift_right_arithmetic3A_926 : i32 to vector<16xi32>
    %shift_right_arithmetic3A_928 = arith.shrsi %add3A_922, %shift_right_arithmetic3A_927 : vector<16xi32>
    %and3A_929 = arith.constant 127 : i32
    %and3A_930 = vector.broadcast %and3A_929 : i32 to vector<16xi32>
    %and3A_931 = arith.andi %add3A_922, %and3A_930 : vector<16xi32>
    %gather3A_932 = tpu.vector_load_idx %arg11[%add3A_925, %shift_right_arithmetic3A_928, %broadcast_in_dim3A_883, %and3A_931] : memref<8x2x8x128xi32, #tpu.memory_space<vmem>>[vector<16xi32>, vector<16xi32>, vector<16xi32>, vector<16xi32>], vector<16xi32>,
    %swap3A_933 = arith.constant 352 : index
    %swap3A_934 = tpu.vector_load %arg12[%swap3A_933] {strides = array<i32>} : memref<512xi32, #tpu.memory_space<vmem>>, vector<16xi32>,
    tpu.vector_store %arg12[%swap3A_933], %gather3A_932 {strides = array<i32>} : memref<512xi32, #tpu.memory_space<vmem>>, vector<16xi32>,
    %add3A_935 = arith.constant 48 : i32
    %add3A_936 = vector.broadcast %add3A_935 : i32 to vector<16xi32>
    %add3A_937 = arith.addi %add3A_889, %add3A_936 : vector<16xi32>
    %add3A_938 = arith.constant 5 : i32
    %add3A_939 = vector.broadcast %add3A_938 : i32 to vector<16xi32>
    %add3A_940 = arith.addi %broadcast_in_dim3A_358, %add3A_939 : vector<16xi32>
    %shift_right_arithmetic3A_941 = arith.constant 7 : i32
    %shift_right_arithmetic3A_942 = vector.broadcast %shift_right_arithmetic3A_941 : i32 to vector<16xi32>
    %shift_right_arithmetic3A_943 = arith.shrsi %add3A_937, %shift_right_arithmetic3A_942 : vector<16xi32>
    %and3A_944 = arith.constant 127 : i32
    %and3A_945 = vector.broadcast %and3A_944 : i32 to vector<16xi32>
    %and3A_946 = arith.andi %add3A_937, %and3A_945 : vector<16xi32>
    %gather3A_947 = tpu.vector_load_idx %arg11[%add3A_940, %shift_right_arithmetic3A_943, %broadcast_in_dim3A_883, %and3A_946] : memref<8x2x8x128xi32, #tpu.memory_space<vmem>>[vector<16xi32>, vector<16xi32>, vector<16xi32>, vector<16xi32>], vector<16xi32>,
    %swap3A_948 = arith.constant 368 : index
    %swap3A_949 = tpu.vector_load %arg12[%swap3A_948] {strides = array<i32>} : memref<512xi32, #tpu.memory_space<vmem>>, vector<16xi32>,
    tpu.vector_store %arg12[%swap3A_948], %gather3A_947 {strides = array<i32>} : memref<512xi32, #tpu.memory_space<vmem>>, vector<16xi32>,
    %add3A_950 = arith.constant 320 : i32
    %add3A_951 = arith.addi %mul3A_360, %add3A_950 : i32
    %dma_start3A_952 = arith.constant 320 : i32
    %dma_start3A_953 = tpu.memref_slice %arg12[%dma_start3A_952] : memref<512xi32, #tpu.memory_space<vmem>> -> memref<64xi32, #tpu.memory_space<vmem>>
    %dma_start3A_954 = tpu.memref_slice %arg7[%add3A_951] : memref<8192xi32, #tpu.memory_space<hbm>> -> memref<64xi32, #tpu.memory_space<hbm>>
    %dma_start3A_955 = tpu.memref_slice %arg7[%add3A_951] : memref<8192xi32, #tpu.memory_space<hbm>> -> memref<64xi32, #tpu.memory_space<hbm>>
    %dma_start3A_956 = arith.constant 320 : i32
    %dma_start3A_957 = tpu.memref_slice %arg12[%dma_start3A_956] : memref<512xi32, #tpu.memory_space<vmem>> -> memref<64xi32, #tpu.memory_space<vmem>>
    tpu.enqueue_dma source(%dma_start3A_957 : memref<64xi32, #tpu.memory_space<vmem>>) target(%dma_start3A_955 : memref<64xi32, #tpu.memory_space<hbm>>) target_semaphore(%arg15 : memref<!tpu.dma_semaphore, #tpu.memory_space<semaphore_mem>>)
    %dma_wait3A_958 = arith.constant 6 : i32
    %dma_wait3A_959 = arith.constant 0 : i32
    %dma_wait3A_960 = arith.constant 6 : i32
    %dma_wait3A_961 = arith.constant 0 : i32
    %dma_wait3A_962 = arith.constant 0 : i32
    %dma_wait3A_963 = tpu.memref_slice %arg11[%dma_wait3A_958, %dma_wait3A_959, %dma_wait3A_961, %dma_wait3A_962] : memref<8x2x8x128xi32, #tpu.memory_space<vmem>> -> memref<1x1x8x128xi32, #tpu.memory_space<vmem>>
    %dma_wait3A_964 = tpu.memref_squeeze %dma_wait3A_963 : memref<1x1x8x128xi32, #tpu.memory_space<vmem>> -> memref<8x128xi32, #tpu.memory_space<vmem>>
    %dma_wait3A_965 = tpu.memref_slice %arg3[%multiple_of3A_284, %multiple_of3A_292] : memref<512x32768xi32, #tpu.memory_space<hbm>> -> memref<8x128xi32, #tpu.memory_space<hbm>>
    %dma_wait3A_966 = tpu.memref_slice %arg14[%dma_wait3A_960] : memref<8x!tpu.dma_semaphore, #tpu.memory_space<semaphore_mem>> -> memref<1x!tpu.dma_semaphore, #tpu.memory_space<semaphore_mem>>
    %dma_wait3A_967 = tpu.memref_squeeze %dma_wait3A_966 : memref<1x!tpu.dma_semaphore, #tpu.memory_space<semaphore_mem>> -> memref<!tpu.dma_semaphore, #tpu.memory_space<semaphore_mem>>
    %dma_wait3A_968 = arith.constant 0 : i32
    %dma_wait3A_969 = arith.constant 0 : i32
    %dma_wait3A_970 = tpu.memref_slice %arg11[%dma_wait3A_958, %dma_wait3A_959, %dma_wait3A_968, %dma_wait3A_969] : memref<8x2x8x128xi32, #tpu.memory_space<vmem>> -> memref<1x1x8x128xi32, #tpu.memory_space<vmem>>
    %dma_wait3A_971 = tpu.memref_squeeze %dma_wait3A_970 : memref<1x1x8x128xi32, #tpu.memory_space<vmem>> -> memref<8x128xi32, #tpu.memory_space<vmem>>
    %dma_wait3A_972 = tpu.memref_slice %arg3[%multiple_of3A_284, %multiple_of3A_292] : memref<512x32768xi32, #tpu.memory_space<hbm>> -> memref<8x128xi32, #tpu.memory_space<hbm>>
    tpu.wait_dma2 semaphore(%dma_wait3A_967 : memref<!tpu.dma_semaphore, #tpu.memory_space<semaphore_mem>>) src(%dma_wait3A_972 : memref<8x128xi32, #tpu.memory_space<hbm>>) dst(%dma_wait3A_971 : memref<8x128xi32, #tpu.memory_space<vmem>>)
    %convert_element_type3A_973 = arith.extui %gt3A_309 : i1 to i32
    %cond3A_974 = arith.constant 6 : i32
    %cond3A_975 = arith.constant 1 : i32
    %cond3A_976 = arith.constant 6 : i32
    %cond3A_977 = arith.constant 0 : i32
    %cond3A_978 = arith.cmpi ne, %convert_element_type3A_973, %cond3A_977 : i32
    scf.if %cond3A_978 {
      %dma_wait3A_1206 = arith.constant 0 : i32
      %dma_wait3A_1207 = arith.constant 0 : i32
      %dma_wait3A_1208 = tpu.memref_slice %arg11[%cond3A_974, %cond3A_975, %dma_wait3A_1206, %dma_wait3A_1207] : memref<8x2x8x128xi32, #tpu.memory_space<vmem>> -> memref<1x1x8x128xi32, #tpu.memory_space<vmem>>
      %dma_wait3A_1209 = tpu.memref_squeeze %dma_wait3A_1208 : memref<1x1x8x128xi32, #tpu.memory_space<vmem>> -> memref<8x128xi32, #tpu.memory_space<vmem>>
      %dma_wait3A_1210 = tpu.memref_slice %arg3[%multiple_of3A_284, %add3A_311] : memref<512x32768xi32, #tpu.memory_space<hbm>> -> memref<8x128xi32, #tpu.memory_space<hbm>>
      %dma_wait3A_1211 = tpu.memref_slice %arg14[%cond3A_976] : memref<8x!tpu.dma_semaphore, #tpu.memory_space<semaphore_mem>> -> memref<1x!tpu.dma_semaphore, #tpu.memory_space<semaphore_mem>>
      %dma_wait3A_1212 = tpu.memref_squeeze %dma_wait3A_1211 : memref<1x!tpu.dma_semaphore, #tpu.memory_space<semaphore_mem>> -> memref<!tpu.dma_semaphore, #tpu.memory_space<semaphore_mem>>
      %dma_wait3A_1213 = arith.constant 0 : i32
      %dma_wait3A_1214 = arith.constant 0 : i32
      %dma_wait3A_1215 = tpu.memref_slice %arg11[%cond3A_974, %cond3A_975, %dma_wait3A_1213, %dma_wait3A_1214] : memref<8x2x8x128xi32, #tpu.memory_space<vmem>> -> memref<1x1x8x128xi32, #tpu.memory_space<vmem>>
      %dma_wait3A_1216 = tpu.memref_squeeze %dma_wait3A_1215 : memref<1x1x8x128xi32, #tpu.memory_space<vmem>> -> memref<8x128xi32, #tpu.memory_space<vmem>>
      %dma_wait3A_1217 = tpu.memref_slice %arg3[%multiple_of3A_284, %add3A_311] : memref<512x32768xi32, #tpu.memory_space<hbm>> -> memref<8x128xi32, #tpu.memory_space<hbm>>
      tpu.wait_dma2 semaphore(%dma_wait3A_1212 : memref<!tpu.dma_semaphore, #tpu.memory_space<semaphore_mem>>) src(%dma_wait3A_1217 : memref<8x128xi32, #tpu.memory_space<hbm>>) dst(%dma_wait3A_1216 : memref<8x128xi32, #tpu.memory_space<vmem>>)
    } else {
    }
    %slice3A_979 = vector.extract_strided_slice %get3A_39 {offsets = [6], sizes = [1], strides = [1]} : vector<16xi32> to vector<1xi32>
    %squeeze3A_980 = vector.extract %slice3A_979[0] : i32 from vector<1xi32>
    %and3A_981 = arith.constant 7 : i32
    %and3A_982 = arith.andi %squeeze3A_980, %and3A_981 : i32
    %broadcast_in_dim3A_983 = vector.broadcast %and3A_982 : i32 to vector<16xi32>
    %slice3A_984 = vector.extract_strided_slice %add3A_43 {offsets = [6], sizes = [1], strides = [1]} : vector<16xi32> to vector<1xi32>
    %squeeze3A_985 = vector.extract %slice3A_984[0] : i32 from vector<1xi32>
    %and3A_986 = arith.constant 127 : i32
    %and3A_987 = arith.andi %squeeze3A_985, %and3A_986 : i32
    %broadcast_in_dim3A_988 = vector.broadcast %and3A_987 : i32 to vector<16xi32>
    %add3A_989 = arith.addi %broadcast_in_dim3A_988, %iota3A : vector<16xi32>
    %add3A_990 = arith.constant 0 : i32
    %add3A_991 = vector.broadcast %add3A_990 : i32 to vector<16xi32>
    %add3A_992 = arith.addi %add3A_989, %add3A_991 : vector<16xi32>
    %add3A_993 = arith.constant 6 : i32
    %add3A_994 = vector.broadcast %add3A_993 : i32 to vector<16xi32>
    %add3A_995 = arith.addi %broadcast_in_dim3A_358, %add3A_994 : vector<16xi32>
    %shift_right_arithmetic3A_996 = arith.constant 7 : i32
    %shift_right_arithmetic3A_997 = vector.broadcast %shift_right_arithmetic3A_996 : i32 to vector<16xi32>
    %shift_right_arithmetic3A_998 = arith.shrsi %add3A_992, %shift_right_arithmetic3A_997 : vector<16xi32>
    %and3A_999 = arith.constant 127 : i32
    %and3A_1000 = vector.broadcast %and3A_999 : i32 to vector<16xi32>
    %and3A_1001 = arith.andi %add3A_992, %and3A_1000 : vector<16xi32>
    %gather3A_1002 = tpu.vector_load_idx %arg11[%add3A_995, %shift_right_arithmetic3A_998, %broadcast_in_dim3A_983, %and3A_1001] : memref<8x2x8x128xi32, #tpu.memory_space<vmem>>[vector<16xi32>, vector<16xi32>, vector<16xi32>, vector<16xi32>], vector<16xi32>,
    %swap3A_1003 = arith.constant 384 : index
    %swap3A_1004 = tpu.vector_load %arg12[%swap3A_1003] {strides = array<i32>} : memref<512xi32, #tpu.memory_space<vmem>>, vector<16xi32>,
    tpu.vector_store %arg12[%swap3A_1003], %gather3A_1002 {strides = array<i32>} : memref<512xi32, #tpu.memory_space<vmem>>, vector<16xi32>,
    %add3A_1005 = arith.constant 16 : i32
    %add3A_1006 = vector.broadcast %add3A_1005 : i32 to vector<16xi32>
    %add3A_1007 = arith.addi %add3A_989, %add3A_1006 : vector<16xi32>
    %add3A_1008 = arith.constant 6 : i32
    %add3A_1009 = vector.broadcast %add3A_1008 : i32 to vector<16xi32>
    %add3A_1010 = arith.addi %broadcast_in_dim3A_358, %add3A_1009 : vector<16xi32>
    %shift_right_arithmetic3A_1011 = arith.constant 7 : i32
    %shift_right_arithmetic3A_1012 = vector.broadcast %shift_right_arithmetic3A_1011 : i32 to vector<16xi32>
    %shift_right_arithmetic3A_1013 = arith.shrsi %add3A_1007, %shift_right_arithmetic3A_1012 : vector<16xi32>
    %and3A_1014 = arith.constant 127 : i32
    %and3A_1015 = vector.broadcast %and3A_1014 : i32 to vector<16xi32>
    %and3A_1016 = arith.andi %add3A_1007, %and3A_1015 : vector<16xi32>
    %gather3A_1017 = tpu.vector_load_idx %arg11[%add3A_1010, %shift_right_arithmetic3A_1013, %broadcast_in_dim3A_983, %and3A_1016] : memref<8x2x8x128xi32, #tpu.memory_space<vmem>>[vector<16xi32>, vector<16xi32>, vector<16xi32>, vector<16xi32>], vector<16xi32>,
    %swap3A_1018 = arith.constant 400 : index
    %swap3A_1019 = tpu.vector_load %arg12[%swap3A_1018] {strides = array<i32>} : memref<512xi32, #tpu.memory_space<vmem>>, vector<16xi32>,
    tpu.vector_store %arg12[%swap3A_1018], %gather3A_1017 {strides = array<i32>} : memref<512xi32, #tpu.memory_space<vmem>>, vector<16xi32>,
    %add3A_1020 = arith.constant 32 : i32
    %add3A_1021 = vector.broadcast %add3A_1020 : i32 to vector<16xi32>
    %add3A_1022 = arith.addi %add3A_989, %add3A_1021 : vector<16xi32>
    %add3A_1023 = arith.constant 6 : i32
    %add3A_1024 = vector.broadcast %add3A_1023 : i32 to vector<16xi32>
    %add3A_1025 = arith.addi %broadcast_in_dim3A_358, %add3A_1024 : vector<16xi32>
    %shift_right_arithmetic3A_1026 = arith.constant 7 : i32
    %shift_right_arithmetic3A_1027 = vector.broadcast %shift_right_arithmetic3A_1026 : i32 to vector<16xi32>
    %shift_right_arithmetic3A_1028 = arith.shrsi %add3A_1022, %shift_right_arithmetic3A_1027 : vector<16xi32>
    %and3A_1029 = arith.constant 127 : i32
    %and3A_1030 = vector.broadcast %and3A_1029 : i32 to vector<16xi32>
    %and3A_1031 = arith.andi %add3A_1022, %and3A_1030 : vector<16xi32>
    %gather3A_1032 = tpu.vector_load_idx %arg11[%add3A_1025, %shift_right_arithmetic3A_1028, %broadcast_in_dim3A_983, %and3A_1031] : memref<8x2x8x128xi32, #tpu.memory_space<vmem>>[vector<16xi32>, vector<16xi32>, vector<16xi32>, vector<16xi32>], vector<16xi32>,
    %swap3A_1033 = arith.constant 416 : index
    %swap3A_1034 = tpu.vector_load %arg12[%swap3A_1033] {strides = array<i32>} : memref<512xi32, #tpu.memory_space<vmem>>, vector<16xi32>,
    tpu.vector_store %arg12[%swap3A_1033], %gather3A_1032 {strides = array<i32>} : memref<512xi32, #tpu.memory_space<vmem>>, vector<16xi32>,
    %add3A_1035 = arith.constant 48 : i32
    %add3A_1036 = vector.broadcast %add3A_1035 : i32 to vector<16xi32>
    %add3A_1037 = arith.addi %add3A_989, %add3A_1036 : vector<16xi32>
    %add3A_1038 = arith.constant 6 : i32
    %add3A_1039 = vector.broadcast %add3A_1038 : i32 to vector<16xi32>
    %add3A_1040 = arith.addi %broadcast_in_dim3A_358, %add3A_1039 : vector<16xi32>
    %shift_right_arithmetic3A_1041 = arith.constant 7 : i32
    %shift_right_arithmetic3A_1042 = vector.broadcast %shift_right_arithmetic3A_1041 : i32 to vector<16xi32>
    %shift_right_arithmetic3A_1043 = arith.shrsi %add3A_1037, %shift_right_arithmetic3A_1042 : vector<16xi32>
    %and3A_1044 = arith.constant 127 : i32
    %and3A_1045 = vector.broadcast %and3A_1044 : i32 to vector<16xi32>
    %and3A_1046 = arith.andi %add3A_1037, %and3A_1045 : vector<16xi32>
    %gather3A_1047 = tpu.vector_load_idx %arg11[%add3A_1040, %shift_right_arithmetic3A_1043, %broadcast_in_dim3A_983, %and3A_1046] : memref<8x2x8x128xi32, #tpu.memory_space<vmem>>[vector<16xi32>, vector<16xi32>, vector<16xi32>, vector<16xi32>], vector<16xi32>,
    %swap3A_1048 = arith.constant 432 : index
    %swap3A_1049 = tpu.vector_load %arg12[%swap3A_1048] {strides = array<i32>} : memref<512xi32, #tpu.memory_space<vmem>>, vector<16xi32>,
    tpu.vector_store %arg12[%swap3A_1048], %gather3A_1047 {strides = array<i32>} : memref<512xi32, #tpu.memory_space<vmem>>, vector<16xi32>,
    %add3A_1050 = arith.constant 384 : i32
    %add3A_1051 = arith.addi %mul3A_360, %add3A_1050 : i32
    %dma_start3A_1052 = arith.constant 384 : i32
    %dma_start3A_1053 = tpu.memref_slice %arg12[%dma_start3A_1052] : memref<512xi32, #tpu.memory_space<vmem>> -> memref<64xi32, #tpu.memory_space<vmem>>
    %dma_start3A_1054 = tpu.memref_slice %arg7[%add3A_1051] : memref<8192xi32, #tpu.memory_space<hbm>> -> memref<64xi32, #tpu.memory_space<hbm>>
    %dma_start3A_1055 = tpu.memref_slice %arg7[%add3A_1051] : memref<8192xi32, #tpu.memory_space<hbm>> -> memref<64xi32, #tpu.memory_space<hbm>>
    %dma_start3A_1056 = arith.constant 384 : i32
    %dma_start3A_1057 = tpu.memref_slice %arg12[%dma_start3A_1056] : memref<512xi32, #tpu.memory_space<vmem>> -> memref<64xi32, #tpu.memory_space<vmem>>
    tpu.enqueue_dma source(%dma_start3A_1057 : memref<64xi32, #tpu.memory_space<vmem>>) target(%dma_start3A_1055 : memref<64xi32, #tpu.memory_space<hbm>>) target_semaphore(%arg15 : memref<!tpu.dma_semaphore, #tpu.memory_space<semaphore_mem>>)
    %dma_wait3A_1058 = arith.constant 7 : i32
    %dma_wait3A_1059 = arith.constant 0 : i32
    %dma_wait3A_1060 = arith.constant 7 : i32
    %dma_wait3A_1061 = arith.constant 0 : i32
    %dma_wait3A_1062 = arith.constant 0 : i32
    %dma_wait3A_1063 = tpu.memref_slice %arg11[%dma_wait3A_1058, %dma_wait3A_1059, %dma_wait3A_1061, %dma_wait3A_1062] : memref<8x2x8x128xi32, #tpu.memory_space<vmem>> -> memref<1x1x8x128xi32, #tpu.memory_space<vmem>>
    %dma_wait3A_1064 = tpu.memref_squeeze %dma_wait3A_1063 : memref<1x1x8x128xi32, #tpu.memory_space<vmem>> -> memref<8x128xi32, #tpu.memory_space<vmem>>
    %dma_wait3A_1065 = tpu.memref_slice %arg3[%multiple_of3A_324, %multiple_of3A_332] : memref<512x32768xi32, #tpu.memory_space<hbm>> -> memref<8x128xi32, #tpu.memory_space<hbm>>
    %dma_wait3A_1066 = tpu.memref_slice %arg14[%dma_wait3A_1060] : memref<8x!tpu.dma_semaphore, #tpu.memory_space<semaphore_mem>> -> memref<1x!tpu.dma_semaphore, #tpu.memory_space<semaphore_mem>>
    %dma_wait3A_1067 = tpu.memref_squeeze %dma_wait3A_1066 : memref<1x!tpu.dma_semaphore, #tpu.memory_space<semaphore_mem>> -> memref<!tpu.dma_semaphore, #tpu.memory_space<semaphore_mem>>
    %dma_wait3A_1068 = arith.constant 0 : i32
    %dma_wait3A_1069 = arith.constant 0 : i32
    %dma_wait3A_1070 = tpu.memref_slice %arg11[%dma_wait3A_1058, %dma_wait3A_1059, %dma_wait3A_1068, %dma_wait3A_1069] : memref<8x2x8x128xi32, #tpu.memory_space<vmem>> -> memref<1x1x8x128xi32, #tpu.memory_space<vmem>>
    %dma_wait3A_1071 = tpu.memref_squeeze %dma_wait3A_1070 : memref<1x1x8x128xi32, #tpu.memory_space<vmem>> -> memref<8x128xi32, #tpu.memory_space<vmem>>
    %dma_wait3A_1072 = tpu.memref_slice %arg3[%multiple_of3A_324, %multiple_of3A_332] : memref<512x32768xi32, #tpu.memory_space<hbm>> -> memref<8x128xi32, #tpu.memory_space<hbm>>
    tpu.wait_dma2 semaphore(%dma_wait3A_1067 : memref<!tpu.dma_semaphore, #tpu.memory_space<semaphore_mem>>) src(%dma_wait3A_1072 : memref<8x128xi32, #tpu.memory_space<hbm>>) dst(%dma_wait3A_1071 : memref<8x128xi32, #tpu.memory_space<vmem>>)
    %convert_element_type3A_1073 = arith.extui %gt3A_349 : i1 to i32
    %cond3A_1074 = arith.constant 7 : i32
    %cond3A_1075 = arith.constant 1 : i32
    %cond3A_1076 = arith.constant 7 : i32
    %cond3A_1077 = arith.constant 0 : i32
    %cond3A_1078 = arith.cmpi ne, %convert_element_type3A_1073, %cond3A_1077 : i32
    scf.if %cond3A_1078 {
      %dma_wait3A_1206 = arith.constant 0 : i32
      %dma_wait3A_1207 = arith.constant 0 : i32
      %dma_wait3A_1208 = tpu.memref_slice %arg11[%cond3A_1074, %cond3A_1075, %dma_wait3A_1206, %dma_wait3A_1207] : memref<8x2x8x128xi32, #tpu.memory_space<vmem>> -> memref<1x1x8x128xi32, #tpu.memory_space<vmem>>
      %dma_wait3A_1209 = tpu.memref_squeeze %dma_wait3A_1208 : memref<1x1x8x128xi32, #tpu.memory_space<vmem>> -> memref<8x128xi32, #tpu.memory_space<vmem>>
      %dma_wait3A_1210 = tpu.memref_slice %arg3[%multiple_of3A_324, %add3A_351] : memref<512x32768xi32, #tpu.memory_space<hbm>> -> memref<8x128xi32, #tpu.memory_space<hbm>>
      %dma_wait3A_1211 = tpu.memref_slice %arg14[%cond3A_1076] : memref<8x!tpu.dma_semaphore, #tpu.memory_space<semaphore_mem>> -> memref<1x!tpu.dma_semaphore, #tpu.memory_space<semaphore_mem>>
      %dma_wait3A_1212 = tpu.memref_squeeze %dma_wait3A_1211 : memref<1x!tpu.dma_semaphore, #tpu.memory_space<semaphore_mem>> -> memref<!tpu.dma_semaphore, #tpu.memory_space<semaphore_mem>>
      %dma_wait3A_1213 = arith.constant 0 : i32
      %dma_wait3A_1214 = arith.constant 0 : i32
      %dma_wait3A_1215 = tpu.memref_slice %arg11[%cond3A_1074, %cond3A_1075, %dma_wait3A_1213, %dma_wait3A_1214] : memref<8x2x8x128xi32, #tpu.memory_space<vmem>> -> memref<1x1x8x128xi32, #tpu.memory_space<vmem>>
      %dma_wait3A_1216 = tpu.memref_squeeze %dma_wait3A_1215 : memref<1x1x8x128xi32, #tpu.memory_space<vmem>> -> memref<8x128xi32, #tpu.memory_space<vmem>>
      %dma_wait3A_1217 = tpu.memref_slice %arg3[%multiple_of3A_324, %add3A_351] : memref<512x32768xi32, #tpu.memory_space<hbm>> -> memref<8x128xi32, #tpu.memory_space<hbm>>
      tpu.wait_dma2 semaphore(%dma_wait3A_1212 : memref<!tpu.dma_semaphore, #tpu.memory_space<semaphore_mem>>) src(%dma_wait3A_1217 : memref<8x128xi32, #tpu.memory_space<hbm>>) dst(%dma_wait3A_1216 : memref<8x128xi32, #tpu.memory_space<vmem>>)
    } else {
    }
    %slice3A_1079 = vector.extract_strided_slice %get3A_39 {offsets = [7], sizes = [1], strides = [1]} : vector<16xi32> to vector<1xi32>
    %squeeze3A_1080 = vector.extract %slice3A_1079[0] : i32 from vector<1xi32>
    %and3A_1081 = arith.constant 7 : i32
    %and3A_1082 = arith.andi %squeeze3A_1080, %and3A_1081 : i32
    %broadcast_in_dim3A_1083 = vector.broadcast %and3A_1082 : i32 to vector<16xi32>
    %slice3A_1084 = vector.extract_strided_slice %add3A_43 {offsets = [7], sizes = [1], strides = [1]} : vector<16xi32> to vector<1xi32>
    %squeeze3A_1085 = vector.extract %slice3A_1084[0] : i32 from vector<1xi32>
    %and3A_1086 = arith.constant 127 : i32
    %and3A_1087 = arith.andi %squeeze3A_1085, %and3A_1086 : i32
    %broadcast_in_dim3A_1088 = vector.broadcast %and3A_1087 : i32 to vector<16xi32>
    %add3A_1089 = arith.addi %broadcast_in_dim3A_1088, %iota3A : vector<16xi32>
    %add3A_1090 = arith.constant 0 : i32
    %add3A_1091 = vector.broadcast %add3A_1090 : i32 to vector<16xi32>
    %add3A_1092 = arith.addi %add3A_1089, %add3A_1091 : vector<16xi32>
    %add3A_1093 = arith.constant 7 : i32
    %add3A_1094 = vector.broadcast %add3A_1093 : i32 to vector<16xi32>
    %add3A_1095 = arith.addi %broadcast_in_dim3A_358, %add3A_1094 : vector<16xi32>
    %shift_right_arithmetic3A_1096 = arith.constant 7 : i32
    %shift_right_arithmetic3A_1097 = vector.broadcast %shift_right_arithmetic3A_1096 : i32 to vector<16xi32>
    %shift_right_arithmetic3A_1098 = arith.shrsi %add3A_1092, %shift_right_arithmetic3A_1097 : vector<16xi32>
    %and3A_1099 = arith.constant 127 : i32
    %and3A_1100 = vector.broadcast %and3A_1099 : i32 to vector<16xi32>
    %and3A_1101 = arith.andi %add3A_1092, %and3A_1100 : vector<16xi32>
    %gather3A_1102 = tpu.vector_load_idx %arg11[%add3A_1095, %shift_right_arithmetic3A_1098, %broadcast_in_dim3A_1083, %and3A_1101] : memref<8x2x8x128xi32, #tpu.memory_space<vmem>>[vector<16xi32>, vector<16xi32>, vector<16xi32>, vector<16xi32>], vector<16xi32>,
    %swap3A_1103 = arith.constant 448 : index
    %swap3A_1104 = tpu.vector_load %arg12[%swap3A_1103] {strides = array<i32>} : memref<512xi32, #tpu.memory_space<vmem>>, vector<16xi32>,
    tpu.vector_store %arg12[%swap3A_1103], %gather3A_1102 {strides = array<i32>} : memref<512xi32, #tpu.memory_space<vmem>>, vector<16xi32>,
    %add3A_1105 = arith.constant 16 : i32
    %add3A_1106 = vector.broadcast %add3A_1105 : i32 to vector<16xi32>
    %add3A_1107 = arith.addi %add3A_1089, %add3A_1106 : vector<16xi32>
    %add3A_1108 = arith.constant 7 : i32
    %add3A_1109 = vector.broadcast %add3A_1108 : i32 to vector<16xi32>
    %add3A_1110 = arith.addi %broadcast_in_dim3A_358, %add3A_1109 : vector<16xi32>
    %shift_right_arithmetic3A_1111 = arith.constant 7 : i32
    %shift_right_arithmetic3A_1112 = vector.broadcast %shift_right_arithmetic3A_1111 : i32 to vector<16xi32>
    %shift_right_arithmetic3A_1113 = arith.shrsi %add3A_1107, %shift_right_arithmetic3A_1112 : vector<16xi32>
    %and3A_1114 = arith.constant 127 : i32
    %and3A_1115 = vector.broadcast %and3A_1114 : i32 to vector<16xi32>
    %and3A_1116 = arith.andi %add3A_1107, %and3A_1115 : vector<16xi32>
    %gather3A_1117 = tpu.vector_load_idx %arg11[%add3A_1110, %shift_right_arithmetic3A_1113, %broadcast_in_dim3A_1083, %and3A_1116] : memref<8x2x8x128xi32, #tpu.memory_space<vmem>>[vector<16xi32>, vector<16xi32>, vector<16xi32>, vector<16xi32>], vector<16xi32>,
    %swap3A_1118 = arith.constant 464 : index
    %swap3A_1119 = tpu.vector_load %arg12[%swap3A_1118] {strides = array<i32>} : memref<512xi32, #tpu.memory_space<vmem>>, vector<16xi32>,
    tpu.vector_store %arg12[%swap3A_1118], %gather3A_1117 {strides = array<i32>} : memref<512xi32, #tpu.memory_space<vmem>>, vector<16xi32>,
    %add3A_1120 = arith.constant 32 : i32
    %add3A_1121 = vector.broadcast %add3A_1120 : i32 to vector<16xi32>
    %add3A_1122 = arith.addi %add3A_1089, %add3A_1121 : vector<16xi32>
    %add3A_1123 = arith.constant 7 : i32
    %add3A_1124 = vector.broadcast %add3A_1123 : i32 to vector<16xi32>
    %add3A_1125 = arith.addi %broadcast_in_dim3A_358, %add3A_1124 : vector<16xi32>
    %shift_right_arithmetic3A_1126 = arith.constant 7 : i32
    %shift_right_arithmetic3A_1127 = vector.broadcast %shift_right_arithmetic3A_1126 : i32 to vector<16xi32>
    %shift_right_arithmetic3A_1128 = arith.shrsi %add3A_1122, %shift_right_arithmetic3A_1127 : vector<16xi32>
    %and3A_1129 = arith.constant 127 : i32
    %and3A_1130 = vector.broadcast %and3A_1129 : i32 to vector<16xi32>
    %and3A_1131 = arith.andi %add3A_1122, %and3A_1130 : vector<16xi32>
    %gather3A_1132 = tpu.vector_load_idx %arg11[%add3A_1125, %shift_right_arithmetic3A_1128, %broadcast_in_dim3A_1083, %and3A_1131] : memref<8x2x8x128xi32, #tpu.memory_space<vmem>>[vector<16xi32>, vector<16xi32>, vector<16xi32>, vector<16xi32>], vector<16xi32>,
    %swap3A_1133 = arith.constant 480 : index
    %swap3A_1134 = tpu.vector_load %arg12[%swap3A_1133] {strides = array<i32>} : memref<512xi32, #tpu.memory_space<vmem>>, vector<16xi32>,
    tpu.vector_store %arg12[%swap3A_1133], %gather3A_1132 {strides = array<i32>} : memref<512xi32, #tpu.memory_space<vmem>>, vector<16xi32>,
    %add3A_1135 = arith.constant 48 : i32
    %add3A_1136 = vector.broadcast %add3A_1135 : i32 to vector<16xi32>
    %add3A_1137 = arith.addi %add3A_1089, %add3A_1136 : vector<16xi32>
    %add3A_1138 = arith.constant 7 : i32
    %add3A_1139 = vector.broadcast %add3A_1138 : i32 to vector<16xi32>
    %add3A_1140 = arith.addi %broadcast_in_dim3A_358, %add3A_1139 : vector<16xi32>
    %shift_right_arithmetic3A_1141 = arith.constant 7 : i32
    %shift_right_arithmetic3A_1142 = vector.broadcast %shift_right_arithmetic3A_1141 : i32 to vector<16xi32>
    %shift_right_arithmetic3A_1143 = arith.shrsi %add3A_1137, %shift_right_arithmetic3A_1142 : vector<16xi32>
    %and3A_1144 = arith.constant 127 : i32
    %and3A_1145 = vector.broadcast %and3A_1144 : i32 to vector<16xi32>
    %and3A_1146 = arith.andi %add3A_1137, %and3A_1145 : vector<16xi32>
    %gather3A_1147 = tpu.vector_load_idx %arg11[%add3A_1140, %shift_right_arithmetic3A_1143, %broadcast_in_dim3A_1083, %and3A_1146] : memref<8x2x8x128xi32, #tpu.memory_space<vmem>>[vector<16xi32>, vector<16xi32>, vector<16xi32>, vector<16xi32>], vector<16xi32>,
    %swap3A_1148 = arith.constant 496 : index
    %swap3A_1149 = tpu.vector_load %arg12[%swap3A_1148] {strides = array<i32>} : memref<512xi32, #tpu.memory_space<vmem>>, vector<16xi32>,
    tpu.vector_store %arg12[%swap3A_1148], %gather3A_1147 {strides = array<i32>} : memref<512xi32, #tpu.memory_space<vmem>>, vector<16xi32>,
    %add3A_1150 = arith.constant 448 : i32
    %add3A_1151 = arith.addi %mul3A_360, %add3A_1150 : i32
    %dma_start3A_1152 = arith.constant 448 : i32
    %dma_start3A_1153 = tpu.memref_slice %arg12[%dma_start3A_1152] : memref<512xi32, #tpu.memory_space<vmem>> -> memref<64xi32, #tpu.memory_space<vmem>>
    %dma_start3A_1154 = tpu.memref_slice %arg7[%add3A_1151] : memref<8192xi32, #tpu.memory_space<hbm>> -> memref<64xi32, #tpu.memory_space<hbm>>
    %dma_start3A_1155 = tpu.memref_slice %arg7[%add3A_1151] : memref<8192xi32, #tpu.memory_space<hbm>> -> memref<64xi32, #tpu.memory_space<hbm>>
    %dma_start3A_1156 = arith.constant 448 : i32
    %dma_start3A_1157 = tpu.memref_slice %arg12[%dma_start3A_1156] : memref<512xi32, #tpu.memory_space<vmem>> -> memref<64xi32, #tpu.memory_space<vmem>>
    tpu.enqueue_dma source(%dma_start3A_1157 : memref<64xi32, #tpu.memory_space<vmem>>) target(%dma_start3A_1155 : memref<64xi32, #tpu.memory_space<hbm>>) target_semaphore(%arg15 : memref<!tpu.dma_semaphore, #tpu.memory_space<semaphore_mem>>)
    %dma_wait3A_1158 = arith.constant 0 : i32
    %dma_wait3A_1159 = tpu.memref_slice %arg12[%dma_wait3A_1158] : memref<512xi32, #tpu.memory_space<vmem>> -> memref<64xi32, #tpu.memory_space<vmem>>
    %dma_wait3A_1160 = tpu.memref_slice %arg7[%add3A_451] : memref<8192xi32, #tpu.memory_space<hbm>> -> memref<64xi32, #tpu.memory_space<hbm>>
    %dma_wait3A_1161 = tpu.memref_slice %arg7[%add3A_451] : memref<8192xi32, #tpu.memory_space<hbm>> -> memref<64xi32, #tpu.memory_space<hbm>>
    %dma_wait3A_1162 = arith.constant 0 : i32
    %dma_wait3A_1163 = tpu.memref_slice %arg12[%dma_wait3A_1162] : memref<512xi32, #tpu.memory_space<vmem>> -> memref<64xi32, #tpu.memory_space<vmem>>
    tpu.wait_dma2 semaphore(%arg15 : memref<!tpu.dma_semaphore, #tpu.memory_space<semaphore_mem>>) src(%dma_wait3A_1163 : memref<64xi32, #tpu.memory_space<vmem>>) dst(%dma_wait3A_1161 : memref<64xi32, #tpu.memory_space<hbm>>)
    %dma_wait3A_1164 = arith.constant 64 : i32
    %dma_wait3A_1165 = tpu.memref_slice %arg12[%dma_wait3A_1164] : memref<512xi32, #tpu.memory_space<vmem>> -> memref<64xi32, #tpu.memory_space<vmem>>
    %dma_wait3A_1166 = tpu.memref_slice %arg7[%add3A_551] : memref<8192xi32, #tpu.memory_space<hbm>> -> memref<64xi32, #tpu.memory_space<hbm>>
    %dma_wait3A_1167 = tpu.memref_slice %arg7[%add3A_551] : memref<8192xi32, #tpu.memory_space<hbm>> -> memref<64xi32, #tpu.memory_space<hbm>>
    %dma_wait3A_1168 = arith.constant 64 : i32
    %dma_wait3A_1169 = tpu.memref_slice %arg12[%dma_wait3A_1168] : memref<512xi32, #tpu.memory_space<vmem>> -> memref<64xi32, #tpu.memory_space<vmem>>
    tpu.wait_dma2 semaphore(%arg15 : memref<!tpu.dma_semaphore, #tpu.memory_space<semaphore_mem>>) src(%dma_wait3A_1169 : memref<64xi32, #tpu.memory_space<vmem>>) dst(%dma_wait3A_1167 : memref<64xi32, #tpu.memory_space<hbm>>)
    %dma_wait3A_1170 = arith.constant 128 : i32
    %dma_wait3A_1171 = tpu.memref_slice %arg12[%dma_wait3A_1170] : memref<512xi32, #tpu.memory_space<vmem>> -> memref<64xi32, #tpu.memory_space<vmem>>
    %dma_wait3A_1172 = tpu.memref_slice %arg7[%add3A_651] : memref<8192xi32, #tpu.memory_space<hbm>> -> memref<64xi32, #tpu.memory_space<hbm>>
    %dma_wait3A_1173 = tpu.memref_slice %arg7[%add3A_651] : memref<8192xi32, #tpu.memory_space<hbm>> -> memref<64xi32, #tpu.memory_space<hbm>>
    %dma_wait3A_1174 = arith.constant 128 : i32
    %dma_wait3A_1175 = tpu.memref_slice %arg12[%dma_wait3A_1174] : memref<512xi32, #tpu.memory_space<vmem>> -> memref<64xi32, #tpu.memory_space<vmem>>
    tpu.wait_dma2 semaphore(%arg15 : memref<!tpu.dma_semaphore, #tpu.memory_space<semaphore_mem>>) src(%dma_wait3A_1175 : memref<64xi32, #tpu.memory_space<vmem>>) dst(%dma_wait3A_1173 : memref<64xi32, #tpu.memory_space<hbm>>)
    %dma_wait3A_1176 = arith.constant 192 : i32
    %dma_wait3A_1177 = tpu.memref_slice %arg12[%dma_wait3A_1176] : memref<512xi32, #tpu.memory_space<vmem>> -> memref<64xi32, #tpu.memory_space<vmem>>
    %dma_wait3A_1178 = tpu.memref_slice %arg7[%add3A_751] : memref<8192xi32, #tpu.memory_space<hbm>> -> memref<64xi32, #tpu.memory_space<hbm>>
    %dma_wait3A_1179 = tpu.memref_slice %arg7[%add3A_751] : memref<8192xi32, #tpu.memory_space<hbm>> -> memref<64xi32, #tpu.memory_space<hbm>>
    %dma_wait3A_1180 = arith.constant 192 : i32
    %dma_wait3A_1181 = tpu.memref_slice %arg12[%dma_wait3A_1180] : memref<512xi32, #tpu.memory_space<vmem>> -> memref<64xi32, #tpu.memory_space<vmem>>
    tpu.wait_dma2 semaphore(%arg15 : memref<!tpu.dma_semaphore, #tpu.memory_space<semaphore_mem>>) src(%dma_wait3A_1181 : memref<64xi32, #tpu.memory_space<vmem>>) dst(%dma_wait3A_1179 : memref<64xi32, #tpu.memory_space<hbm>>)
    %dma_wait3A_1182 = arith.constant 256 : i32
    %dma_wait3A_1183 = tpu.memref_slice %arg12[%dma_wait3A_1182] : memref<512xi32, #tpu.memory_space<vmem>> -> memref<64xi32, #tpu.memory_space<vmem>>
    %dma_wait3A_1184 = tpu.memref_slice %arg7[%add3A_851] : memref<8192xi32, #tpu.memory_space<hbm>> -> memref<64xi32, #tpu.memory_space<hbm>>
    %dma_wait3A_1185 = tpu.memref_slice %arg7[%add3A_851] : memref<8192xi32, #tpu.memory_space<hbm>> -> memref<64xi32, #tpu.memory_space<hbm>>
    %dma_wait3A_1186 = arith.constant 256 : i32
    %dma_wait3A_1187 = tpu.memref_slice %arg12[%dma_wait3A_1186] : memref<512xi32, #tpu.memory_space<vmem>> -> memref<64xi32, #tpu.memory_space<vmem>>
    tpu.wait_dma2 semaphore(%arg15 : memref<!tpu.dma_semaphore, #tpu.memory_space<semaphore_mem>>) src(%dma_wait3A_1187 : memref<64xi32, #tpu.memory_space<vmem>>) dst(%dma_wait3A_1185 : memref<64xi32, #tpu.memory_space<hbm>>)
    %dma_wait3A_1188 = arith.constant 320 : i32
    %dma_wait3A_1189 = tpu.memref_slice %arg12[%dma_wait3A_1188] : memref<512xi32, #tpu.memory_space<vmem>> -> memref<64xi32, #tpu.memory_space<vmem>>
    %dma_wait3A_1190 = tpu.memref_slice %arg7[%add3A_951] : memref<8192xi32, #tpu.memory_space<hbm>> -> memref<64xi32, #tpu.memory_space<hbm>>
    %dma_wait3A_1191 = tpu.memref_slice %arg7[%add3A_951] : memref<8192xi32, #tpu.memory_space<hbm>> -> memref<64xi32, #tpu.memory_space<hbm>>
    %dma_wait3A_1192 = arith.constant 320 : i32
    %dma_wait3A_1193 = tpu.memref_slice %arg12[%dma_wait3A_1192] : memref<512xi32, #tpu.memory_space<vmem>> -> memref<64xi32, #tpu.memory_space<vmem>>
    tpu.wait_dma2 semaphore(%arg15 : memref<!tpu.dma_semaphore, #tpu.memory_space<semaphore_mem>>) src(%dma_wait3A_1193 : memref<64xi32, #tpu.memory_space<vmem>>) dst(%dma_wait3A_1191 : memref<64xi32, #tpu.memory_space<hbm>>)
    %dma_wait3A_1194 = arith.constant 384 : i32
    %dma_wait3A_1195 = tpu.memref_slice %arg12[%dma_wait3A_1194] : memref<512xi32, #tpu.memory_space<vmem>> -> memref<64xi32, #tpu.memory_space<vmem>>
    %dma_wait3A_1196 = tpu.memref_slice %arg7[%add3A_1051] : memref<8192xi32, #tpu.memory_space<hbm>> -> memref<64xi32, #tpu.memory_space<hbm>>
    %dma_wait3A_1197 = tpu.memref_slice %arg7[%add3A_1051] : memref<8192xi32, #tpu.memory_space<hbm>> -> memref<64xi32, #tpu.memory_space<hbm>>
    %dma_wait3A_1198 = arith.constant 384 : i32
    %dma_wait3A_1199 = tpu.memref_slice %arg12[%dma_wait3A_1198] : memref<512xi32, #tpu.memory_space<vmem>> -> memref<64xi32, #tpu.memory_space<vmem>>
    tpu.wait_dma2 semaphore(%arg15 : memref<!tpu.dma_semaphore, #tpu.memory_space<semaphore_mem>>) src(%dma_wait3A_1199 : memref<64xi32, #tpu.memory_space<vmem>>) dst(%dma_wait3A_1197 : memref<64xi32, #tpu.memory_space<hbm>>)
    %dma_wait3A_1200 = arith.constant 448 : i32
    %dma_wait3A_1201 = tpu.memref_slice %arg12[%dma_wait3A_1200] : memref<512xi32, #tpu.memory_space<vmem>> -> memref<64xi32, #tpu.memory_space<vmem>>
    %dma_wait3A_1202 = tpu.memref_slice %arg7[%add3A_1151] : memref<8192xi32, #tpu.memory_space<hbm>> -> memref<64xi32, #tpu.memory_space<hbm>>
    %dma_wait3A_1203 = tpu.memref_slice %arg7[%add3A_1151] : memref<8192xi32, #tpu.memory_space<hbm>> -> memref<64xi32, #tpu.memory_space<hbm>>
    %dma_wait3A_1204 = arith.constant 448 : i32
    %dma_wait3A_1205 = tpu.memref_slice %arg12[%dma_wait3A_1204] : memref<512xi32, #tpu.memory_space<vmem>> -> memref<64xi32, #tpu.memory_space<vmem>>
    tpu.wait_dma2 semaphore(%arg15 : memref<!tpu.dma_semaphore, #tpu.memory_space<semaphore_mem>>) src(%dma_wait3A_1205 : memref<64xi32, #tpu.memory_space<vmem>>) dst(%dma_wait3A_1203 : memref<64xi32, #tpu.memory_space<hbm>>)
    return
  }
}

</mosaic_0001>

<sc_bundles>
// kernel: kernel.3.cloned.1.call-start
scs
__scs_entry_jumppad:
0x0: {  	(pc) =	sbr.rel $0x88, $3  }
0x1: {  	(tag) =	ssettag $0x0;
	lr =	simm.s32 $0x1  }
0x2: {  	[smem:$0x3F9C] =	sst lr;
	_ =	strace $0xD0000000  }
0x3: {  	_ = 	snop  }
0x4: {  	_ = 	snop  }
0x5: {  	_ = 	snop  }
0x6: {  	_ = 	snop  }
0x7: {  	_ = 	snop  }
__scs_overlays_trampoline_lowered:
0x8: {  	[smem:$0x3FAB] =	sst s0  }
0x9: {  	[smem:$0x3FAC] =	sst s1  }
0xa: {  	[smem:$0x3FAD] =	sst s2  }
0xb: {  	[smem:$0x3FAE] =	sst s3  }
0xc: {  	[smem:$0x3FAF] =	sst s4  }
0xd: {  	[smem:$0x3FB0] =	sst s5  }
0xe: {  	[smem:$0x3FB1] =	sst s6  }
0xf: {  	[smem:$0x3FB2] =	sst s7  }
0x10: {  	[smem:$0x3FB3] =	sst s8  }
0x11: {  	[smem:$0x3FB4] =	sst s9;
	s0 =	simm.s32 @!p0 $0x0  }
0x12: {  	s1 =	sld [smem:$0x3F9A];
	s0 =	simm.s32 @p0 $0x1  }
0x13: {  	[smem:$0x3FB5] =	sst s0;
	s0 =	simm.s32 @!p1 $0x0  }
0x14: {  	s2 =	sld [smem:$0x3F99];
	s0 =	simm.s32 @p1 $0x1  }
0x15: {  	[smem:$0x3FB6] =	sst s0;
	s0 =	simm.s32 @!p2 $0x0  }
0x16: {  	s3 =	sld [smem:$0x3FDB];
	s0 =	simm.s32 @p2 $0x1  }
0x17: {  	s4 =	simm.s32 $0x1BF5;
	[smem:$0x3FB8] =	sst s0  }
0x18: {  	s0 =	sld [smem:$0x3F9B];
	_ =	swait.ge [sflag:s4], $0x0  }
0x19: {  	s7 =	sld [smem:$0x3F9C]  }
0x1a: {  	s8 =	sadd.s32 $0xFFFFE003, lr  }
0x1b: {  	s9 =	sadd.s32 $0xFFFFFEF7, lr;
	s5 =	simm.s32 $0xFFFFFFFF;
	p2 =	slt.u32 s8, $0xFFFFF086  }
0x1c: {  	p1 =	slt.u32 s9, $0xF7A;
	s5 =	simm.s32 @!p2 $0x0  }
0x1d: {  	s5 =	simm.s32 @p1 $0x1;
	p0 =	seq.s32 s7, s2  }
0x1e: {  	s7 =	smul.u32 @!p0 $0xF7A, s2;
	p2 =	seq.s32 @!p0 s5, $0x0  }
0x1f: {  	s9 =	smul.u32 $0xF7A, s1;
	s8 =	simm.s32 @!p0 $0x1BF5;
	p2 =	por !p2, p0  }
0x20: {  	[sflag:s8] =	ssyncset.s32 @!p0 $0xFFFFF086;
	s6 =	sadd.s32 @!p0 s3, s7;
	s7 =	simm.s32 @!p0 $0x108  }
0x21: {  	s3 =	sadd.s32 s3, s9;
	s6 =	sadd.s32 @!p0 $0x88, s6;
	s7 =	simm.s32 @p2 $0x1082  }
0x22: {  	[simem:s7], [sflag:s8] =	dma.local @!p0 [hbm:s6], $0xF7A  }
0x23: {  	s9 =	sor.u32 $0xD0000000, s2;
	s6 =	simm.s32 $0x108;
	_ =	swait.ge @!p0 [sflag:s8], $0x0  }
0x24: {  	s3 =	sadd.s32 $0x88, s3;
	s6 =	simm.s32 @!p1 $0x1082;
	[sflag:s4] =	ssyncset.s32 $0xFFFFF086  }
0x25: {  	[simem:s6], [sflag:s4] =	dma.local [hbm:s3], $0xF7A  }
0x26: {  	[smem:$0x3F9C] =	sst s1;
	(tag) =	ssettag s2;
	_ =	strace s9  }
0x27: {  	s1 =	sld [smem:$0x3FAC]  }
0x28: {  	s2 =	sld [smem:$0x3FAD]  }
0x29: {  	s4 =	sld [smem:$0x3FAF]  }
0x2a: {  	p0 =	seq.s32 s5, $0x0;
	s5 =	sld [smem:$0x3FB0]  }
0x2b: {  	s6 =	sld [smem:$0x3FB1]  }
0x2c: {  	s7 =	sld [smem:$0x3FB2]  }
0x2d: {  	s3 =	simm.s32 $0x108;
	s8 =	sld [smem:$0x3FB3]  }
0x2e: {  	s3 =	simm.s32 @!p0 $0x1082;
	s9 =	sld [smem:$0x3FB4]  }
0x2f: {  	lr =	sadd.s32 s0, s3;
	s0 =	sld [smem:$0x3FAB]  }
0x30: {  	s3 =	sld [smem:$0x3FAE]  }
0x31: {  	[smem:$0x3FB7] =	sst s10  }
0x32: {  	s10 =	sld [smem:$0x3FB5];
	_ =	sdelay $0x3  }
0x33: {  	p0 =	seq.s32 s10, $0x1;
	s10 =	sld [smem:$0x3FB7];
	_ =	sdelay $0x3  }
0x34: {  	[smem:$0x3FB7] =	sst s10  }
0x35: {  	s10 =	sld [smem:$0x3FB6];
	_ =	sdelay $0x3  }
0x36: {  	p1 =	seq.s32 s10, $0x1;
	s10 =	sld [smem:$0x3FB7];
	_ =	sdelay $0x3  }
0x37: {  	[smem:$0x3FB7] =	sst s10  }
0x38: {  	s10 =	sld [smem:$0x3FB8]  }
0x39: {  	_ = 	snop;
	(pc) =	sbr.ind lr, $3  }
0x3a: {  	_ = 	snop  }
0x3b: {  	_ = 	snop  }
0x3c: {  	p2 =	seq.s32 s10, $0x1;
	s10 =	sld [smem:$0x3FB7]  }
0x3d: {  	_ =	shalt  }
0x3e: {  	_ =	shalt  }
0x3f: {  	_ =	shalt  }
0x40: {  	_ =	shalt  }
0x41: {  	_ =	shalt  }
0x42: {  	_ =	shalt  }
0x43: {  	_ =	shalt  }
0x44: {  	_ =	shalt  }
0x45: {  	_ =	shalt  }
0x46: {  	_ =	shalt  }
0x47: {  	_ =	shalt  }
0x48: {  	_ =	shalt  }
0x49: {  	_ =	shalt  }
0x4a: {  	_ =	shalt  }
0x4b: {  	_ =	shalt  }
0x4c: {  	_ =	shalt  }
0x4d: {  	_ =	shalt  }
0x4e: {  	_ =	shalt  }
0x4f: {  	_ =	shalt  }
0x50: {  	_ =	shalt  }
0x51: {  	_ =	shalt  }
0x52: {  	_ =	shalt  }
0x53: {  	_ =	shalt  }
0x54: {  	_ =	shalt  }
0x55: {  	_ =	shalt  }
0x56: {  	_ =	shalt  }
0x57: {  	_ =	shalt  }
0x58: {  	_ =	shalt  }
0x59: {  	_ =	shalt  }
0x5a: {  	_ =	shalt  }
0x5b: {  	_ =	shalt  }
0x5c: {  	_ =	shalt  }
0x5d: {  	_ =	shalt  }
0x5e: {  	_ =	shalt  }
0x5f: {  	_ =	shalt  }
0x60: {  	_ =	shalt  }
0x61: {  	_ =	shalt  }
0x62: {  	_ =	shalt  }
0x63: {  	_ =	shalt  }
0x64: {  	_ =	shalt  }
0x65: {  	_ =	shalt  }
0x66: {  	_ =	shalt  }
0x67: {  	_ =	shalt  }
0x68: {  	_ =	shalt  }
0x69: {  	_ =	shalt  }
0x6a: {  	_ =	shalt  }
0x6b: {  	_ =	shalt  }
0x6c: {  	_ =	shalt  }
0x6d: {  	_ =	shalt  }
0x6e: {  	_ =	shalt  }
0x6f: {  	_ =	shalt  }
0x70: {  	_ =	shalt  }
0x71: {  	_ =	shalt  }
0x72: {  	_ =	shalt  }
0x73: {  	_ =	shalt  }
0x74: {  	_ =	shalt  }
0x75: {  	_ =	shalt  }
0x76: {  	_ =	shalt  }
0x77: {  	_ =	shalt  }
0x78: {  	_ =	shalt  }
0x79: {  	_ =	shalt  }
0x7a: {  	_ =	shalt  }
0x7b: {  	_ =	shalt  }
0x7c: {  	_ =	shalt  }
0x7d: {  	_ =	shalt  }
0x7e: {  	_ =	shalt  }
0x7f: {  	_ =	shalt  }
0x80: {  	_ =	shalt  }
0x81: {  	_ =	shalt  }
0x82: {  	_ =	shalt  }
0x83: {  	_ =	shalt  }
0x84: {  	_ =	shalt  }
0x85: {  	_ =	shalt  }
0x86: {  	_ =	shalt  }
0x87: {  	_ =	shalt  }
.Lfunc_end0:
.L_simem_size_0:
called_computation_lowered:
.L_overlay_start_0:
0x88: {  	s0 =	sld [smem:$0x3FD9]  }
0x89: {  	s1 =	sld [smem:$0x3FFE];
	_ =	sdelay $0x3  }
0x8a: {  	s0 =	sadd.s32 s1, s0  }
0x8b: {  	[smem:$0x3FC3] =	sst s0  }
0x8c: {  	_ = 	snop  }
0x8d: {  	s0 =	sld [smem:$0x3FC9]  }
0x8e: {  	s17 =	sld [smem:$0x3FC8]  }
0x8f: {  	s2 =	sld [smem:$0x3FC7]  }
0x90: {  	s3 =	sld [smem:$0x3FC6]  }
0x91: {  	s4 =	sld [smem:$0x3FC5]  }
0x92: {  	s5 =	sld [smem:$0x3FD0];
	(tm) =	ssettm $0x1  }
0x93: {  	s6 =	sld [smem:$0x3FFB];
	_ =	sdelay $0x3  }
0x94: {  	_ =	strace s6  }
0x95: {  	s6 =	sld [smem:$0x3FFC];
	_ =	sdelay $0x3  }
0x96: {  	_ =	strace s6  }
0x97: {  	s6 =	sld [smem:$0x3FFD];
	_ =	sdelay $0x3  }
0x98: {  	_ =	strace s6  }
0x99: {  	_ =	strace $0x8FFFFFFF  }
0x9a: {  	s18 =	sld [smem:$0x3FDB];
	_ =	sdelay $0x1  }
0x9b: {  	s7 =	simm.s32 $_scs_section_size  }
0x9c: {  	s8 =	simm.s32 $_size__tile_overlayer_lowered;
	s9 =	simm.s32 $_tile_overlayer_lowered  }
0x9d: {  	s21 =	simm.s32 $0x1BFF;
	s20 =	sshll.u32 s9, $0x1;
	s6 =	sadd.s32 s7, s18  }
0x9e: {  	s10 =	simm.s32 $0x0;
	s19 =	sshll.u32 s8, $0x1;
	s8 =	sadd.s32 s20, s6  }
0x9f: {  	[timem:s10], [sflag:s21] =	dma.local [hbm:s8], s19  }
0xa0: {  	_ =	swait.ge [sflag:s21], s19  }
0xa1: {  	s7 =	ssub.s32 $0x0, s19;
	[sflag:s21] =	ssyncset.done $0x0  }
0xa2: {  	[sflag:s21] =	ssyncadd.s32 s7;
	_ =	sdelay $0x1  }
0xa3: {  	s22 =	simm.s32 $0x1B8B  }
0xa4: {  	_ =	swait.ge [sflag:s22], $0x1  }
0xa5: {  	[sflag:s22] =	ssyncset.done $0x0  }
0xa6: {  	s23 =	simm.s32 $0x1B8E;
	[sflag:s22] =	ssyncadd.s32 $0xFFFFFFFF  }
0xa7: {  	s24 =	simm.s32 $execute0_lowered;
	[smem:$0x3FD2] =	sst s23  }
0xa8: {  	s7 =	sshll.u32 s24, $0x1;
	_ =	strace $0x80000046;
	[dreg:$0x1] =	wrdreg $0xFFFFFFFF  }
0xa9: {  	s25 =	simm.s32 $_size_execute0_lowered;
	s6 =	sadd.s32 s6, s7;
	[dreg:$0x0] =	wrdreg $0x0  }
0xaa: {  	s7 =	sshll.u32 s25, $0x1;
	[dreg:$0x2] =	wrdreg s6  }
0xab: {  	[dreg:$0x3] =	wrdreg s7  }
0xac: {  	[dreg:$0x4] =	wrdreg $0xC0  }
0xad: {  	_ =	task [dreg:s10], $0x5FFFF  }
0xae: {  	[dreg:$0x1] =	wrdreg $0xFFFFFFFF  }
0xaf: {  	[dreg:$0x0] =	wrdreg $0x60  }
0xb0: {  	[dreg:$0x2] =	wrdreg s0  }
0xb1: {  	[dreg:$0x3] =	wrdreg s17  }
0xb2: {  	[dreg:$0x4] =	wrdreg s2  }
0xb3: {  	[dreg:$0x5] =	wrdreg s3  }
0xb4: {  	[dreg:$0x6] =	wrdreg s4  }
0xb5: {  	[dreg:$0x7] =	wrdreg s5  }
0xb6: {  	[dreg:$0x8] =	wrdreg $0x9  }
0xb7: {  	_ =	task.clear_ibuf [dreg:s10], $0x9FFFF;
	_ =	strace $0x90000046  }
0xb8: {  	s26 =	simm.s32 $0x9;
	_ =	strace $0x80000048  }
0xb9: {  	_ =	swait.ge [sflag:s26], $0x1  }
0xba: {  	[sflag:s26] =	ssyncadd.s32 $0xFFFFFFFF  }
0xbb: {  	_ =	strace $0x90000048  }
0xbc: {  	_ =	sfence  }
0xbd: {  	s28 =	sld [smem:$0x0];
	_ =	sdelay $0x1  }
0xbe: {  	s29 =	srdreg.scid  }
0xbf: {  	s30 =	sshll.u32 s29, $0xD;
	s31 =	sshrl.u32 s29, $0x2  }
0xc0: {  	s1 =	sand.u32 $0x1, s29;
	s2 =	sand.u32 $0x4000, s30;
	s0 =	sadd.s32 s31, s28  }
0xc1: {  	s1 =	sor.u32 s2, s1;
	s0 =	sshll.u32 s0, $0x11  }
0xc2: {  	s0 =	sor.u32 s0, s1  }
0xc3: {  	s0 =	sadd.s32 $0x8F2B, s0  }
0xc4: {  	[sflag:s0] =	ssyncadd.remote.s32 $0x1  }
0xc5: {  	_ =	sfence.sel $0xFFFF  }
0xc6: {  	[dreg:$0x0] =	wrdreg $0xFFFFFFFF;
	(pc) =	sbr.abs _section_cstart, $3  }
0xc7: {  	[dreg:$0x1] =	wrdreg $0xFFFFFFFF  }
0xc8: {  	_ =	task.clear_ibuf [dreg:s10], $0x2FFFF;
	_ =	strace $0x9FFFFFFF  }
0xc9: {  	(tm) =	ssettm $0x7FFFFFFF  }
tec
execute0_lowered:
.L_overlay_start_1:
0x0: {  	(tag) =	ssettag $0x1  }
0x1: {  	s1 =	rddreg [dreg:$0x0]  }
0x2: {  	s18 =	rddreg [dreg:$0x1]  }
0x3: {  	s3 =	rddreg [dreg:$0x2]  }
0x4: {  	s4 =	rddreg [dreg:$0x3]  }
0x5: {  	s5 =	rddreg [dreg:$0x4]  }
0x6: {  	s7 =	rddreg [dreg:$0x5];
	s2 =	simm.s32 $0x0  }
0x7: {  	[smem:$0x7FF] =	sst s2  }
0x8: {  	s0 =	rddreg [dreg:$0x6];
	_ =	strace $0x80000047  }
0x9: {  	[tilespmem:s2], [sflag:$0x1] =	stream.linear.gather [hbm4b:s1+s2], $0x80, $0x38;
	[tilespmem:$0x4480] =	vst v63  }
0xa: {  	s31 =	simm.s32 $0x100  }
0xb: {  	[tilespmem:s31], [sflag:$0x1] =	stream.linear.gather [hbm4b:s3+s2], $0x80, $0x38;
	[tilespmem:$0x4480] =	vst v63  }
0xc: {  	s6 =	simm.s32 $0x200  }
0xd: {  	[tilespmem:s6], [sflag:$0x1] =	stream.linear.gather [hbm4b:s4+s2], $0x1, $0x38;
	[tilespmem:$0x4480] =	vst v63  }
0xe: {  	s8 =	simm.s32 $0x208;
	s9 =	simm.s32 $0x1  }
0xf: {  	[tilespmem:s8], [sflag:$0x1] =	stream.linear.gather [hbm4b:s5+s2], $0x1, $0x38;
	[tilespmem:$0x4480] =	vst v63  }
0x10: {  	_ =	swait.ge [sflag:s9], $0x80  }
0x11: {  	[sflag:s9] =	ssyncset.done $0x0  }
0x12: {  	[sflag:s9] =	ssyncadd.s32 $0xFFFFFF80  }
0x13: {  	_ =	swait.ge [sflag:s9], $0x80  }
0x14: {  	[sflag:s9] =	ssyncset.done $0x0  }
0x15: {  	[sflag:s9] =	ssyncadd.s32 $0xFFFFFF80  }
0x16: {  	_ =	swait.ge [sflag:s9], $0x1  }
0x17: {  	[sflag:s9] =	ssyncset.done $0x0  }
0x18: {  	[sflag:s9] =	ssyncadd.s32 $0xFFFFFFFF  }
0x19: {  	_ =	swait.ge [sflag:s9], $0x1  }
0x1a: {  	[sflag:s9] =	ssyncset.done $0x0  }
0x1b: {  	[sflag:s9] =	ssyncadd.s32 $0xFFFFFFFF  }
0x1c: {  	v0 =	vld [tilespmem:$0x200];
	_ =	sdelay $0x4  }
0x1d: {  	(v2sf) =	vpush v0, $0x0  }
0x1e: {  	(v2sf) =	vpush v0, $0x8;
	_ =	sdelay $0xa  }
0x1f: {  	s1 =	stileid.u32  }
0x20: {  	s10 =	sshll.u32 s1, $0x3  }
0x21: {  	v1 =	vld [tilespmem:s10+$0x0]  }
0x22: {  	v23 =	vld [tilespmem:s10+$0x100];
	s11 =	spop (v2sf)  }
0x23: {  	s12 =	spop (v2sf)  }
0x24: {  	s3 =	smul.u32 s12, s11;
	_ =	sdelay $0x1  }
0x25: {  	s3 =	sadd.s32 $0xFFFFFFC0, s3  }
0x26: {  	(v2sf) =	vpush v1, $0x0;
	v0 =	vadd.s32 s3, v23  }
0x27: {  	(v2sf) =	vpush v0, $0x0;
	_ =	sdelay $0x6  }
0x28: {  	(v2sf) =	vpush v1, $0x1;
	_ =	sdelay $0x6  }
0x29: {  	s21 =	spop (v2sf)  }
0x2a: {  	s13 =	spop (v2sf);
	(v2sf) =	vpush v0, $0x1;
	_ =	sdelay $0x4  }
0x2b: {  	s14 =	sshll.u32 s21, $0xF  }
0x2c: {  	s4 =	sand.u32 $0x7FFC0000, s14;
	s5 =	sshll.u32 s13, $0x3;
	s19 =	sand.u32 $0x7F, s13  }
0x2d: {  	s20 =	spop (v2sf);
	(v2sf) =	vpush v1, $0x2;
	s6 =	sand.u32 $0x7FFFFC00, s5;
	p1 =	slt.u32 s19, $0x41  }
0x2e: {  	s6 =	sadd.s32 s4, s6;
	s5 =	sand.u32 @!p1 $0xFFFFFC00, s5  }
0x2f: {  	s6 =	sshrl.u32 s6, $0x3;
	s4 =	sadd.s32 @!p1 s4, s5  }
0x30: {  	s3 =	simm.s32 $0x280;
	s6 =	sadd.s32 s18, s6;
	s4 =	sadd.s32 @!p1 $0x400, s4  }
0x31: {  	[tilespmem:s3], [sflag:$0x2] =	stream.linear.gather [hbm4b:s6+s2], $0x400, $0x38;
	[tilespmem:$0x4480] =	vst v63  }
0x32: {  	s4 =	sshrl.u32 @!p1 s4, $0x3  }
0x33: {  	s5 =	simm.s32 @!p1 $0x0;
	s6 =	simm.s32 @!p1 $0x680;
	s4 =	sadd.s32 @!p1 s18, s4  }
0x34: {  	[tilespmem:s6], [sflag:$0x2] =	stream.linear.gather @!p1 [hbm4b:s4+s5], $0x400, $0x38;
	[tilespmem:$0x4480] =	vst v63  }
0x35: {  	s15 =	spop (v2sf)  }
0x36: {  	s16 =	sshll.u32 s20, $0xF;
	s6 =	sshll.u32 s15, $0x3  }
0x37: {  	s5 =	sand.u32 $0x7FFC0000, s16;
	(v2sf) =	vpush v0, $0x2;
	s8 =	sand.u32 $0x7FFFFC00, s6  }
0x38: {  	s8 =	sadd.s32 s5, s8  }
0x39: {  	s8 =	sshrl.u32 s8, $0x3  }
0x3a: {  	s22 =	simm.s32 $0xA80;
	s17 =	sadd.s32 s18, s8  }
0x3b: {  	[tilespmem:s22], [sflag:$0x3] =	stream.linear.gather [hbm4b:s17+s2], $0x400, $0x38;
	[tilespmem:$0x4480] =	vst v63  }
0x3c: {  	s17 =	spop (v2sf);
	(v2sf) =	vpush v1, $0x3;
	_ =	sdelay $0x6  }
0x3d: {  	s16 =	sand.u32 $0x7F, s15  }
0x3e: {  	p6 =	slt.u32 s16, $0x41  }
0x3f: {  	s4 =	sand.u32 @!p6 $0xFFFFFC00, s6  }
0x40: {  	s4 =	sadd.s32 @!p6 s5, s4;
	s23 =	spop (v2sf);
	(v2sf) =	vpush v0, $0x3  }
0x41: {  	s4 =	sadd.s32 @!p6 $0x400, s4  }
0x42: {  	s4 =	sshrl.u32 @!p6 s4, $0x3  }
0x43: {  	s6 =	simm.s32 @!p6 $0xE80;
	s5 =	simm.s32 @!p6 $0x0;
	s4 =	sadd.s32 @!p6 s18, s4  }
0x44: {  	[tilespmem:s6], [sflag:$0x3] =	stream.linear.gather @!p6 [hbm4b:s4+s5], $0x400, $0x38;
	[tilespmem:$0x4480] =	vst v63  }
0x45: {  	s15 =	spop (v2sf);
	(v2sf) =	vpush v1, $0x4  }
0x46: {  	s24 =	sshll.u32 s17, $0xF;
	s6 =	sshll.u32 s23, $0x3;
	s14 =	sand.u32 $0x7F, s23  }
0x47: {  	s5 =	sand.u32 $0x7FFC0000, s24;
	s25 =	sand.u32 $0x7FFFFC00, s6;
	p5 =	slt.u32 s14, $0x41  }
0x48: {  	s8 =	sadd.s32 s5, s25;
	s4 =	sand.u32 @!p5 $0xFFFFFC00, s6;
	(v2sf) =	vpush v0, $0x4  }
0x49: {  	s8 =	sshrl.u32 s8, $0x3;
	s4 =	sadd.s32 @!p5 s5, s4  }
0x4a: {  	s28 =	simm.s32 $0x1280;
	s26 =	sadd.s32 s18, s8;
	s4 =	sadd.s32 @!p5 $0x400, s4  }
0x4b: {  	[tilespmem:s28], [sflag:$0x4] =	stream.linear.gather [hbm4b:s26+s2], $0x400, $0x38;
	[tilespmem:$0x4480] =	vst v63  }
0x4c: {  	s4 =	sshrl.u32 @!p5 s4, $0x3  }
0x4d: {  	s6 =	simm.s32 @!p5 $0x1680;
	s5 =	simm.s32 @!p5 $0x0;
	s4 =	sadd.s32 @!p5 s18, s4  }
0x4e: {  	[tilespmem:s6], [sflag:$0x4] =	stream.linear.gather @!p5 [hbm4b:s4+s5], $0x400, $0x38;
	[tilespmem:$0x4480] =	vst v63  }
0x4f: {  	s29 =	spop (v2sf)  }
0x50: {  	s30 =	sshll.u32 s15, $0xF;
	(v2sf) =	vpush v1, $0x5;
	s6 =	sshll.u32 s29, $0x3;
	s12 =	sand.u32 $0x7F, s29  }
0x51: {  	s5 =	sand.u32 $0x7FFC0000, s30;
	s31 =	sand.u32 $0x7FFFFC00, s6;
	p4 =	slt.u32 s12, $0x41  }
0x52: {  	s8 =	sadd.s32 s5, s31;
	s4 =	sand.u32 @!p4 $0xFFFFFC00, s6  }
0x53: {  	s10 =	simm.s32 $0x1A80;
	s8 =	sshrl.u32 s8, $0x3;
	s4 =	sadd.s32 @!p4 s5, s4  }
0x54: {  	s9 =	sadd.s32 s18, s8;
	s4 =	sadd.s32 @!p4 $0x400, s4;
	s13 =	spop (v2sf);
	(v2sf) =	vpush v0, $0x5  }
0x55: {  	[tilespmem:s10], [sflag:$0x5] =	stream.linear.gather [hbm4b:s9+s2], $0x400, $0x38;
	[tilespmem:$0x4480] =	vst v63  }
0x56: {  	s6 =	simm.s32 @!p4 $0x1E80;
	s4 =	sshrl.u32 @!p4 s4, $0x3  }
0x57: {  	s5 =	simm.s32 @!p4 $0x0;
	s4 =	sadd.s32 @!p4 s18, s4;
	s11 =	spop (v2sf)  }
0x58: {  	[tilespmem:s6], [sflag:$0x5] =	stream.linear.gather @!p4 [hbm4b:s4+s5], $0x400, $0x38;
	[tilespmem:$0x4480] =	vst v63  }
0x59: {  	s22 =	sshll.u32 s13, $0xF;
	s6 =	sshll.u32 s11, $0x3  }
0x5a: {  	s5 =	sand.u32 $0x7FFC0000, s22;
	s10 =	sand.u32 $0x7F, s11;
	s23 =	sand.u32 $0x7FFFFC00, s6  }
0x5b: {  	p3 =	slt.u32 s10, $0x41;
	s8 =	sadd.s32 s5, s23  }
0x5c: {  	(v2sf) =	vpush v1, $0x6;
	s4 =	sand.u32 @!p3 $0xFFFFFC00, s6;
	s8 =	sshrl.u32 s8, $0x3  }
0x5d: {  	s25 =	simm.s32 $0x2280;
	s4 =	sadd.s32 @!p3 s5, s4;
	s24 =	sadd.s32 s18, s8  }
0x5e: {  	[tilespmem:s25], [sflag:$0x6] =	stream.linear.gather [hbm4b:s24+s2], $0x400, $0x38;
	[tilespmem:$0x4480] =	vst v63  }
0x5f: {  	s4 =	sadd.s32 @!p3 $0x400, s4;
	s11 =	spop (v2sf);
	(v2sf) =	vpush v0, $0x6  }
0x60: {  	s4 =	sshrl.u32 @!p3 s4, $0x3  }
0x61: {  	s6 =	simm.s32 @!p3 $0x2680;
	s5 =	simm.s32 @!p3 $0x0;
	s4 =	sadd.s32 @!p3 s18, s4  }
0x62: {  	[tilespmem:s6], [sflag:$0x6] =	stream.linear.gather @!p3 [hbm4b:s4+s5], $0x400, $0x38;
	[tilespmem:$0x4480] =	vst v63  }
0x63: {  	s26 =	spop (v2sf)  }
0x64: {  	s28 =	sshll.u32 s11, $0xF;
	s6 =	sshll.u32 s26, $0x3  }
0x65: {  	s5 =	sand.u32 $0x7FFC0000, s28;
	s29 =	sand.u32 $0x7FFFFC00, s6  }
0x66: {  	s8 =	sadd.s32 s5, s29  }
0x67: {  	s9 =	sshrl.u32 s8, $0x3;
	s8 =	sand.u32 $0x7F, s26  }
0x68: {  	s31 =	simm.s32 $0x2A80;
	s30 =	sadd.s32 s18, s9;
	p2 =	slt.u32 s8, $0x41  }
0x69: {  	[tilespmem:s31], [sflag:$0x7] =	stream.linear.gather [hbm4b:s30+s2], $0x400, $0x38;
	[tilespmem:$0x4480] =	vst v63  }
0x6a: {  	(v2sf) =	vpush v1, $0x7;
	s4 =	sand.u32 @!p2 $0xFFFFFC00, s6  }
0x6b: {  	s9 =	spop (v2sf);
	(v2sf) =	vpush v0, $0x7;
	s4 =	sadd.s32 @!p2 s5, s4  }
0x6c: {  	s4 =	sadd.s32 @!p2 $0x400, s4  }
0x6d: {  	s6 =	simm.s32 @!p2 $0x2E80;
	s4 =	sshrl.u32 @!p2 s4, $0x3  }
0x6e: {  	s5 =	simm.s32 @!p2 $0x0;
	s22 =	spop (v2sf);
	s4 =	sadd.s32 @!p2 s18, s4  }
0x6f: {  	[tilespmem:s6], [sflag:$0x7] =	stream.linear.gather @!p2 [hbm4b:s4+s5], $0x400, $0x38;
	[tilespmem:$0x4480] =	vst v63  }
0x70: {  	s6 =	sshll.u32 s9, $0xF;
	s5 =	sshll.u32 s22, $0x3  }
0x71: {  	s4 =	sand.u32 $0x7FFC0000, s6;
	s23 =	sand.u32 $0x7FFFFC00, s5  }
0x72: {  	s6 =	sadd.s32 s4, s23  }
0x73: {  	s23 =	sshrl.u32 s6, $0x3;
	s6 =	sand.u32 $0x7F, s22  }
0x74: {  	s25 =	simm.s32 $0x3280;
	s24 =	sadd.s32 s18, s23;
	p0 =	slt.u32 s6, $0x41  }
0x75: {  	[tilespmem:s25], [sflag:$0x8] =	stream.linear.gather [hbm4b:s24+s2], $0x400, $0x38;
	[tilespmem:$0x4480] =	vst v63  }
0x76: {  	s5 =	sand.u32 @!p0 $0xFFFFFC00, s5  }
0x77: {  	s22 =	simm.s32 @!p0 $0x0;
	s4 =	sadd.s32 @!p0 s4, s5  }
0x78: {  	s23 =	simm.s32 @!p0 $0x3680;
	s22 =	simm.s32 @p0 $0x1;
	s4 =	sadd.s32 @!p0 $0x400, s4  }
0x79: {  	s5 =	spop (v2sf);
	[smem:$0x7FD] =	sst s22;
	s4 =	sshrl.u32 @!p0 s4, $0x3  }
0x7a: {  	s22 =	simm.s32 @!p0 $0x0;
	s4 =	sadd.s32 @!p0 s18, s4;
	s26 =	spop (v2sf)  }
0x7b: {  	[tilespmem:s23], [sflag:$0x8] =	stream.linear.gather @!p0 [hbm4b:s4+s22], $0x400, $0x38;
	[tilespmem:$0x4480] =	vst v63  }
0x7c: {  	s28 =	sshll.u32 s5, $0xF;
	s23 =	sshll.u32 s26, $0x3;
	s4 =	sand.u32 $0x7F, s26  }
0x7d: {  	s22 =	sand.u32 $0x7FFC0000, s28;
	s24 =	sand.u32 $0x7FFFFC00, s23;
	p0 =	slt.u32 s4, $0x41  }
0x7e: {  	s24 =	sadd.s32 s22, s24;
	s23 =	sand.u32 @!p0 $0xFFFFFC00, s23  }
0x7f: {  	s24 =	sshrl.u32 s24, $0x3;
	s22 =	sadd.s32 @!p0 s22, s23  }
0x80: {  	s25 =	simm.s32 $0x3A80;
	s24 =	sadd.s32 s18, s24;
	s22 =	sadd.s32 @!p0 $0x400, s22  }
0x81: {  	v0 =	vlaneseq.u32;
	[tilespmem:s25], [sflag:$0x9] =	stream.linear.gather [hbm4b:s24+s2], $0x400, $0x38;
	[tilespmem:$0x4480] =	vst v63  }
0x82: {  	s21 =	sand.u32 $0x7, s21;
	s29 =	simm.s32 $0x2;
	v24 =	vadd.s32 s19, v0;
	s22 =	sshrl.u32 @!p0 s22, $0x3  }
0x83: {  	v2 =	vshll.u32 v24, $0x3;
	s23 =	simm.s32 @!p0 $0x3E80;
	s18 =	sadd.s32 @!p0 s18, s22;
	s22 =	simm.s32 @!p0 $0x0  }
0x84: {  	v1 =	vand.u32 $0x7F, v24;
	v2 =	vand.u32 $0x400, v2;
	[tilespmem:s23], [sflag:$0x9] =	stream.linear.gather @!p0 [hbm4b:s18+s22], $0x400, $0x38;
	[tilespmem:$0x4480] =	vst v63  }
0x85: {  	s21 =	sshll.u32 s21, $0x7;
	v1 =	vor.u32 v2, v1;
	_ =	swait.ge [sflag:s29], $0x400  }
0x86: {  	v2 =	vor.u32 s21, v1;
	[sflag:s29] =	ssyncset.done $0x0  }
0x87: {  	v1 =	vor.u32 $0x10, v0;
	s18 =	simm.s32 @!p1 $0x2;
	[sflag:s29] =	ssyncadd.s32 $0xFFFFFC00  }
0x88: {  	v3 =	vadd.s32 s19, v1;
	_ =	swait.ge @!p1 [sflag:s18], $0x400  }
0x89: {  	v4 =	vshll.u32 v3, $0x3;
	[sflag:s18] =	ssyncset.done @!p1 $0x0  }
0x8a: {  	v3 =	vand.u32 $0x7F, v3;
	v4 =	vand.u32 $0x400, v4;
	[sflag:s18] =	ssyncadd.s32 @!p1 $0xFFFFFC00  }
0x8b: {  	v25 =	vor.u32 v4, v3;
	v5 =	vld.idx.msk [tilespmem:v2+s3+$0x0], $0xffff  }
0x8c: {  	v3 =	vor.u32 s21, v25  }
0x8d: {  	v2 =	vor.u32 $0x20, v0  }
0x8e: {  	v26 =	vadd.s32 s19, v2  }
0x8f: {  	v6 =	vshll.u32 v26, $0x3  }
0x90: {  	v4 =	vand.u32 $0x7F, v26;
	v27 =	vand.u32 $0x400, v6;
	[tilespmem:$0x4280] =	vst v5  }
0x91: {  	v29 =	vor.u32 v27, v4;
	v28 =	vld.idx.msk [tilespmem:v3+s3+$0x0], $0xffff  }
0x92: {  	v4 =	vor.u32 s21, v29  }
0x93: {  	v3 =	vor.u32 $0x30, v0  }
0x94: {  	v30 =	vadd.s32 s19, v3  }
0x95: {  	v7 =	vshll.u32 v30, $0x3  }
0x96: {  	v5 =	vand.u32 $0x7F, v30;
	v31 =	vand.u32 $0x400, v7;
	[tilespmem:$0x4290] =	vst v28  }
0x97: {  	v5 =	vor.u32 v31, v5;
	v4 =	vld.idx.msk [tilespmem:v4+s3+$0x0], $0xffff  }
0x98: {  	v5 =	vor.u32 s21, v5;
	_ =	sdelay $0x3  }
0x99: {  	[tilespmem:$0x42A0] =	vst v4  }
0x9a: {  	v4 =	vld.idx.msk [tilespmem:v5+s3+$0x0], $0xffff;
	_ =	sdelay $0x1  }
0x9b: {  	s30 =	sand.u32 $0x7, s20  }
0x9c: {  	s18 =	sshll.u32 s30, $0x7  }
0x9d: {  	s31 =	sshll.u32 s1, $0x6;
	v33 =	vadd.s32 s16, v0;
	v32 =	vmov s18  }
0x9e: {  	s20 =	simm.s32 $0x3;
	s7 =	sadd.s32 s7, s31;
	v34 =	vshll.u32 v33, $0x3;
	s19 =	simm.s32 $0x4280;
	[tilespmem:$0x42B0] =	vst v4;
	v4 =	vor.u32 $0x800, v32  }
0x9f: {  	v6 =	vand.u32 $0x400, v34;
	v5 =	vand.u32 $0x7F, v33;
	[hbm4b:s7+s2] =	stream.linear.scatter [tilespmem:s19], [sflag:$0xA], $0x40, $0x38;
	v4 =	vbroadcast v4, $0x0;
	[tilespmem:$0x4480] =	vst v63  }
0xa0: {  	v5 =	vor.u32 v6, v5;
	_ =	swait.ge [sflag:s20], $0x400  }
0xa1: {  	[sflag:s20] =	ssyncset.done $0x0;
	v5 =	vor.u32 v4, v5  }
0xa2: {  	s18 =	simm.s32 @!p6 $0x3;
	[sflag:s20] =	ssyncadd.s32 $0xFFFFFC00  }
0xa3: {  	v35 =	vadd.s32 s16, v1;
	_ =	swait.ge @!p6 [sflag:s18], $0x400  }
0xa4: {  	v36 =	vshll.u32 v35, $0x3;
	[sflag:s18] =	ssyncset.done @!p6 $0x0  }
0xa5: {  	v7 =	vand.u32 $0x400, v36;
	v6 =	vand.u32 $0x7F, v35;
	[sflag:s18] =	ssyncadd.s32 @!p6 $0xFFFFFC00  }
0xa6: {  	v6 =	vor.u32 v7, v6;
	v5 =	vld.idx.msk [tilespmem:v5+s3+$0x0], $0xffff  }
0xa7: {  	v6 =	vor.u32 v4, v6;
	_ =	sdelay $0x1  }
0xa8: {  	v37 =	vadd.s32 s16, v2  }
0xa9: {  	v8 =	vshll.u32 v37, $0x3  }
0xaa: {  	v38 =	vand.u32 $0x7F, v37;
	v39 =	vand.u32 $0x400, v8;
	[tilespmem:$0x42C0] =	vst v5  }
0xab: {  	v5 =	vor.u32 v39, v38;
	v6 =	vld.idx.msk [tilespmem:v6+s3+$0x0], $0xffff  }
0xac: {  	v5 =	vor.u32 v4, v5;
	_ =	sdelay $0x1  }
0xad: {  	v40 =	vadd.s32 s16, v3  }
0xae: {  	v41 =	vshll.u32 v40, $0x3  }
0xaf: {  	v42 =	vand.u32 $0x7F, v40;
	v43 =	vand.u32 $0x400, v41;
	[tilespmem:$0x42D0] =	vst v6  }
0xb0: {  	v6 =	vor.u32 v43, v42;
	v5 =	vld.idx.msk [tilespmem:v5+s3+$0x0], $0xffff  }
0xb1: {  	v4 =	vor.u32 v4, v6;
	_ =	sdelay $0x3  }
0xb2: {  	[tilespmem:$0x42E0] =	vst v5  }
0xb3: {  	v4 =	vld.idx.msk [tilespmem:v4+s3+$0x0], $0xffff;
	_ =	sdelay $0x1  }
0xb4: {  	s21 =	sand.u32 $0x7, s17  }
0xb5: {  	s16 =	sshll.u32 s21, $0x7  }
0xb6: {  	v45 =	vadd.s32 s14, v0;
	v44 =	vmov s16  }
0xb7: {  	v46 =	vshll.u32 v45, $0x3;
	s24 =	simm.s32 $0x4;
	s22 =	sadd.s32 $0x8, s7;
	s23 =	simm.s32 $0x42C0;
	[tilespmem:$0x42F0] =	vst v4;
	v4 =	vor.u32 $0x1000, v44  }
0xb8: {  	v6 =	vand.u32 $0x400, v46;
	v5 =	vand.u32 $0x7F, v45;
	[hbm4b:s22+s2] =	stream.linear.scatter [tilespmem:s23], [sflag:$0xA], $0x40, $0x38;
	v4 =	vbroadcast v4, $0x0;
	[tilespmem:$0x4480] =	vst v63  }
0xb9: {  	v5 =	vor.u32 v6, v5;
	_ =	swait.ge [sflag:s24], $0x400  }
0xba: {  	[sflag:s24] =	ssyncset.done $0x0;
	v5 =	vor.u32 v4, v5  }
0xbb: {  	s16 =	simm.s32 @!p5 $0x4;
	[sflag:s24] =	ssyncadd.s32 $0xFFFFFC00  }
0xbc: {  	v47 =	vadd.s32 s14, v1;
	_ =	swait.ge @!p5 [sflag:s16], $0x400  }
0xbd: {  	v48 =	vshll.u32 v47, $0x3;
	[sflag:s16] =	ssyncset.done @!p5 $0x0  }
0xbe: {  	v7 =	vand.u32 $0x400, v48;
	v6 =	vand.u32 $0x7F, v47;
	[sflag:s16] =	ssyncadd.s32 @!p5 $0xFFFFFC00  }
0xbf: {  	v6 =	vor.u32 v7, v6;
	v5 =	vld.idx.msk [tilespmem:v5+s3+$0x0], $0xffff  }
0xc0: {  	v6 =	vor.u32 v4, v6;
	_ =	sdelay $0x1  }
0xc1: {  	v49 =	vadd.s32 s14, v2  }
0xc2: {  	v50 =	vshll.u32 v49, $0x3  }
0xc3: {  	v51 =	vand.u32 $0x7F, v49;
	v52 =	vand.u32 $0x400, v50;
	[tilespmem:$0x4300] =	vst v5  }
0xc4: {  	v5 =	vor.u32 v52, v51;
	v6 =	vld.idx.msk [tilespmem:v6+s3+$0x0], $0xffff  }
0xc5: {  	v5 =	vor.u32 v4, v5;
	_ =	sdelay $0x1  }
0xc6: {  	v53 =	vadd.s32 s14, v3  }
0xc7: {  	v54 =	vshll.u32 v53, $0x3  }
0xc8: {  	v55 =	vand.u32 $0x7F, v53;
	v56 =	vand.u32 $0x400, v54;
	[tilespmem:$0x4310] =	vst v6  }
0xc9: {  	v6 =	vor.u32 v56, v55;
	v5 =	vld.idx.msk [tilespmem:v5+s3+$0x0], $0xffff  }
0xca: {  	v4 =	vor.u32 v4, v6;
	_ =	sdelay $0x3  }
0xcb: {  	[tilespmem:$0x4320] =	vst v5  }
0xcc: {  	v4 =	vld.idx.msk [tilespmem:v4+s3+$0x0], $0xffff;
	_ =	sdelay $0x1  }
0xcd: {  	s25 =	sand.u32 $0x7, s15  }
0xce: {  	s14 =	sshll.u32 s25, $0x7  }
0xcf: {  	v58 =	vadd.s32 s12, v0;
	v57 =	vmov s14  }
0xd0: {  	v59 =	vshll.u32 v58, $0x3;
	s26 =	sadd.s32 $0x10, s7;
	s28 =	simm.s32 $0x4300;
	s29 =	simm.s32 $0x5;
	[tilespmem:$0x4330] =	vst v4;
	v4 =	vor.u32 $0x1800, v57  }
0xd1: {  	v6 =	vand.u32 $0x400, v59;
	v5 =	vand.u32 $0x7F, v58;
	[hbm4b:s26+s2] =	stream.linear.scatter [tilespmem:s28], [sflag:$0xA], $0x40, $0x38;
	v4 =	vbroadcast v4, $0x0;
	[tilespmem:$0x4480] =	vst v63  }
0xd2: {  	v5 =	vor.u32 v6, v5;
	_ =	swait.ge [sflag:s29], $0x400  }
0xd3: {  	[sflag:s29] =	ssyncset.done $0x0;
	v5 =	vor.u32 v4, v5  }
0xd4: {  	s14 =	simm.s32 @!p4 $0x5;
	[sflag:s29] =	ssyncadd.s32 $0xFFFFFC00  }
0xd5: {  	v60 =	vadd.s32 s12, v1;
	_ =	swait.ge @!p4 [sflag:s14], $0x400  }
0xd6: {  	v61 =	vshll.u32 v60, $0x3;
	[sflag:s14] =	ssyncset.done @!p4 $0x0  }
0xd7: {  	v7 =	vand.u32 $0x400, v61;
	v6 =	vand.u32 $0x7F, v60;
	[sflag:s14] =	ssyncadd.s32 @!p4 $0xFFFFFC00  }
0xd8: {  	v6 =	vor.u32 v7, v6;
	v5 =	vld.idx.msk [tilespmem:v5+s3+$0x0], $0xffff  }
0xd9: {  	v6 =	vor.u32 v4, v6;
	_ =	sdelay $0x1  }
0xda: {  	v62 =	vadd.s32 s12, v2  }
0xdb: {  	v63 =	vshll.u32 v62, $0x3  }
0xdc: {  	v10 =	vand.u32 $0x7F, v62;
	v11 =	vand.u32 $0x400, v63;
	[tilespmem:$0x4340] =	vst v5  }
0xdd: {  	v5 =	vor.u32 v11, v10;
	v6 =	vld.idx.msk [tilespmem:v6+s3+$0x0], $0xffff  }
0xde: {  	v5 =	vor.u32 v4, v5;
	_ =	sdelay $0x1  }
0xdf: {  	v12 =	vadd.s32 s12, v3  }
0xe0: {  	v13 =	vshll.u32 v12, $0x3  }
0xe1: {  	v14 =	vand.u32 $0x7F, v12;
	v15 =	vand.u32 $0x400, v13;
	[tilespmem:$0x4350] =	vst v6  }
0xe2: {  	v6 =	vor.u32 v15, v14;
	v5 =	vld.idx.msk [tilespmem:v5+s3+$0x0], $0xffff  }
0xe3: {  	v4 =	vor.u32 v4, v6;
	_ =	sdelay $0x3  }
0xe4: {  	[tilespmem:$0x4360] =	vst v5  }
0xe5: {  	v4 =	vld.idx.msk [tilespmem:v4+s3+$0x0], $0xffff;
	_ =	sdelay $0x1  }
0xe6: {  	s30 =	sand.u32 $0x7, s13  }
0xe7: {  	s12 =	sshll.u32 s30, $0x7  }
0xe8: {  	v17 =	vadd.s32 s10, v0;
	v16 =	vmov s12  }
0xe9: {  	v18 =	vshll.u32 v17, $0x3;
	s31 =	sadd.s32 $0x18, s7;
	s15 =	simm.s32 $0x6;
	s14 =	simm.s32 $0x4340;
	[tilespmem:$0x4370] =	vst v4;
	v4 =	vor.u32 $0x2000, v16  }
0xea: {  	v6 =	vand.u32 $0x400, v18;
	v5 =	vand.u32 $0x7F, v17;
	[hbm4b:s31+s2] =	stream.linear.scatter [tilespmem:s14], [sflag:$0xA], $0x40, $0x38;
	v4 =	vbroadcast v4, $0x0;
	[tilespmem:$0x4480] =	vst v63  }
0xeb: {  	v5 =	vor.u32 v6, v5;
	_ =	swait.ge [sflag:s15], $0x400  }
0xec: {  	[sflag:s15] =	ssyncset.done $0x0;
	v5 =	vor.u32 v4, v5  }
0xed: {  	s12 =	simm.s32 @!p3 $0x6;
	[sflag:s15] =	ssyncadd.s32 $0xFFFFFC00  }
0xee: {  	v19 =	vadd.s32 s10, v1;
	_ =	swait.ge @!p3 [sflag:s12], $0x400  }
0xef: {  	v20 =	vshll.u32 v19, $0x3;
	[sflag:s12] =	ssyncset.done @!p3 $0x0  }
0xf0: {  	v7 =	vand.u32 $0x400, v20;
	v6 =	vand.u32 $0x7F, v19;
	[sflag:s12] =	ssyncadd.s32 @!p3 $0xFFFFFC00  }
0xf1: {  	v6 =	vor.u32 v7, v6;
	v5 =	vld.idx.msk [tilespmem:v5+s3+$0x0], $0xffff  }
0xf2: {  	v6 =	vor.u32 v4, v6;
	_ =	sdelay $0x1  }
0xf3: {  	v21 =	vadd.s32 s10, v2  }
0xf4: {  	v22 =	vshll.u32 v21, $0x3  }
0xf5: {  	v23 =	vand.u32 $0x7F, v21;
	v24 =	vand.u32 $0x400, v22;
	[tilespmem:$0x4380] =	vst v5  }
0xf6: {  	v5 =	vor.u32 v24, v23;
	v6 =	vld.idx.msk [tilespmem:v6+s3+$0x0], $0xffff  }
0xf7: {  	v5 =	vor.u32 v4, v5;
	_ =	sdelay $0x1  }
0xf8: {  	v25 =	vadd.s32 s10, v3  }
0xf9: {  	v26 =	vshll.u32 v25, $0x3  }
0xfa: {  	v27 =	vand.u32 $0x7F, v25;
	v28 =	vand.u32 $0x400, v26;
	[tilespmem:$0x4390] =	vst v6  }
0xfb: {  	v6 =	vor.u32 v28, v27;
	v5 =	vld.idx.msk [tilespmem:v5+s3+$0x0], $0xffff  }
0xfc: {  	v4 =	vor.u32 v4, v6;
	_ =	sdelay $0x3  }
0xfd: {  	[tilespmem:$0x43A0] =	vst v5  }
0xfe: {  	v4 =	vld.idx.msk [tilespmem:v4+s3+$0x0], $0xffff;
	_ =	sdelay $0x1  }
0xff: {  	s16 =	sand.u32 $0x7, s11  }
0x100: {  	s10 =	sshll.u32 s16, $0x7  }
0x101: {  	v30 =	vadd.s32 s8, v0;
	v29 =	vmov s10  }
0x102: {  	v31 =	vshll.u32 v30, $0x3;
	s17 =	sadd.s32 $0x20, s7;
	s19 =	simm.s32 $0x7;
	s18 =	simm.s32 $0x4380;
	[tilespmem:$0x43B0] =	vst v4;
	v4 =	vor.u32 $0x2800, v29  }
0x103: {  	v6 =	vand.u32 $0x400, v31;
	v5 =	vand.u32 $0x7F, v30;
	[hbm4b:s17+s2] =	stream.linear.scatter [tilespmem:s18], [sflag:$0xA], $0x40, $0x38;
	v4 =	vbroadcast v4, $0x0;
	[tilespmem:$0x4480] =	vst v63  }
0x104: {  	v5 =	vor.u32 v6, v5;
	_ =	swait.ge [sflag:s19], $0x400  }
0x105: {  	[sflag:s19] =	ssyncset.done $0x0;
	v5 =	vor.u32 v4, v5  }
0x106: {  	s10 =	simm.s32 @!p2 $0x7;
	[sflag:s19] =	ssyncadd.s32 $0xFFFFFC00  }
0x107: {  	v32 =	vadd.s32 s8, v1;
	_ =	swait.ge @!p2 [sflag:s10], $0x400  }
0x108: {  	v33 =	vshll.u32 v32, $0x3;
	[sflag:s10] =	ssyncset.done @!p2 $0x0  }
0x109: {  	v7 =	vand.u32 $0x400, v33;
	v6 =	vand.u32 $0x7F, v32;
	[sflag:s10] =	ssyncadd.s32 @!p2 $0xFFFFFC00  }
0x10a: {  	v6 =	vor.u32 v7, v6;
	v5 =	vld.idx.msk [tilespmem:v5+s3+$0x0], $0xffff  }
0x10b: {  	v6 =	vor.u32 v4, v6;
	_ =	sdelay $0x1  }
0x10c: {  	v34 =	vadd.s32 s8, v2  }
0x10d: {  	v35 =	vshll.u32 v34, $0x3  }
0x10e: {  	v36 =	vand.u32 $0x7F, v34;
	v37 =	vand.u32 $0x400, v35;
	[tilespmem:$0x43C0] =	vst v5  }
0x10f: {  	v5 =	vor.u32 v37, v36;
	v6 =	vld.idx.msk [tilespmem:v6+s3+$0x0], $0xffff  }
0x110: {  	v5 =	vor.u32 v4, v5;
	_ =	sdelay $0x1  }
0x111: {  	v38 =	vadd.s32 s8, v3  }
0x112: {  	v39 =	vshll.u32 v38, $0x3  }
0x113: {  	v40 =	vand.u32 $0x7F, v38;
	v41 =	vand.u32 $0x400, v39;
	[tilespmem:$0x43D0] =	vst v6  }
0x114: {  	v6 =	vor.u32 v41, v40;
	v5 =	vld.idx.msk [tilespmem:v5+s3+$0x0], $0xffff  }
0x115: {  	v4 =	vor.u32 v4, v6;
	_ =	sdelay $0x3  }
0x116: {  	[tilespmem:$0x43E0] =	vst v5  }
0x117: {  	v4 =	vld.idx.msk [tilespmem:v4+s3+$0x0], $0xffff;
	_ =	sdelay $0x3  }
0x118: {  	s21 =	sadd.s32 $0x28, s7;
	s20 =	sand.u32 $0x7, s9  }
0x119: {  	s8 =	sshll.u32 s20, $0x7;
	s22 =	simm.s32 $0x43C0;
	s23 =	simm.s32 $0x8;
	[tilespmem:$0x43F0] =	vst v4  }
0x11a: {  	[hbm4b:s21+s2] =	stream.linear.scatter [tilespmem:s22], [sflag:$0xA], $0x40, $0x38;
	[tilespmem:$0x4480] =	vst v63  }
0x11b: {  	v42 =	vmov s8;
	v43 =	vadd.s32 s6, v0;
	_ =	swait.ge [sflag:s23], $0x400  }
0x11c: {  	v44 =	vshll.u32 v43, $0x3;
	v4 =	vor.u32 $0x3000, v42;
	s24 =	sld [smem:$0x7FD]  }
0x11d: {  	v6 =	vand.u32 $0x400, v44;
	v5 =	vand.u32 $0x7F, v43;
	v4 =	vbroadcast v4, $0x0  }
0x11e: {  	v5 =	vor.u32 v6, v5  }
0x11f: {  	[sflag:s23] =	ssyncset.done $0x0;
	v5 =	vor.u32 v4, v5;
	p1 =	seq.s32 s24, $0x1  }
0x120: {  	[sflag:s23] =	ssyncadd.s32 $0xFFFFFC00;
	s8 =	simm.s32 @!p1 $0x8  }
0x121: {  	v45 =	vadd.s32 s6, v1;
	_ =	swait.ge @!p1 [sflag:s8], $0x400  }
0x122: {  	v46 =	vshll.u32 v45, $0x3;
	[sflag:s8] =	ssyncset.done @!p1 $0x0  }
0x123: {  	v7 =	vand.u32 $0x400, v46;
	v6 =	vand.u32 $0x7F, v45;
	[sflag:s8] =	ssyncadd.s32 @!p1 $0xFFFFFC00  }
0x124: {  	v6 =	vor.u32 v7, v6;
	v5 =	vld.idx.msk [tilespmem:v5+s3+$0x0], $0xffff  }
0x125: {  	v6 =	vor.u32 v4, v6;
	_ =	sdelay $0x1  }
0x126: {  	v47 =	vadd.s32 s6, v2  }
0x127: {  	v48 =	vshll.u32 v47, $0x3  }
0x128: {  	v49 =	vand.u32 $0x7F, v47;
	v50 =	vand.u32 $0x400, v48;
	[tilespmem:$0x4400] =	vst v5  }
0x129: {  	v5 =	vor.u32 v50, v49;
	v6 =	vld.idx.msk [tilespmem:v6+s3+$0x0], $0xffff  }
0x12a: {  	v5 =	vor.u32 v4, v5;
	_ =	sdelay $0x1  }
0x12b: {  	v51 =	vadd.s32 s6, v3  }
0x12c: {  	v52 =	vshll.u32 v51, $0x3  }
0x12d: {  	v53 =	vand.u32 $0x7F, v51;
	v54 =	vand.u32 $0x400, v52;
	[tilespmem:$0x4410] =	vst v6  }
0x12e: {  	v6 =	vor.u32 v54, v53;
	v5 =	vld.idx.msk [tilespmem:v5+s3+$0x0], $0xffff  }
0x12f: {  	v4 =	vor.u32 v4, v6;
	_ =	sdelay $0x3  }
0x130: {  	[tilespmem:$0x4420] =	vst v5  }
0x131: {  	v4 =	vld.idx.msk [tilespmem:v4+s3+$0x0], $0xffff;
	_ =	sdelay $0x1  }
0x132: {  	s5 =	sand.u32 $0x7, s5  }
0x133: {  	s5 =	sshll.u32 s5, $0x7  }
0x134: {  	v0 =	vadd.s32 s4, v0;
	v55 =	vmov s5  }
0x135: {  	s25 =	sadd.s32 $0x30, s7;
	v56 =	vshll.u32 v0, $0x3;
	s26 =	simm.s32 $0x4400;
	s28 =	simm.s32 $0x9;
	[tilespmem:$0x4430] =	vst v4;
	v4 =	vor.u32 $0x3800, v55  }
0x136: {  	v0 =	vand.u32 $0x7F, v0;
	v5 =	vand.u32 $0x400, v56;
	[hbm4b:s25+s2] =	stream.linear.scatter [tilespmem:s26], [sflag:$0xA], $0x40, $0x38;
	v4 =	vbroadcast v4, $0x0;
	[tilespmem:$0x4480] =	vst v63  }
0x137: {  	v0 =	vor.u32 v5, v0;
	_ =	swait.ge [sflag:s28], $0x400  }
0x138: {  	[sflag:s28] =	ssyncset.done $0x0;
	v0 =	vor.u32 v4, v0  }
0x139: {  	s5 =	simm.s32 @!p0 $0x9;
	[sflag:s28] =	ssyncadd.s32 $0xFFFFFC00  }
0x13a: {  	v1 =	vadd.s32 s4, v1;
	_ =	swait.ge @!p0 [sflag:s5], $0x400  }
0x13b: {  	v57 =	vshll.u32 v1, $0x3;
	[sflag:s5] =	ssyncset.done @!p0 $0x0  }
0x13c: {  	v1 =	vand.u32 $0x7F, v1;
	v5 =	vand.u32 $0x400, v57;
	[sflag:s5] =	ssyncadd.s32 @!p0 $0xFFFFFC00  }
0x13d: {  	v1 =	vor.u32 v5, v1;
	v0 =	vld.idx.msk [tilespmem:v0+s3+$0x0], $0xffff  }
0x13e: {  	v1 =	vor.u32 v4, v1;
	_ =	sdelay $0x1  }
0x13f: {  	v2 =	vadd.s32 s4, v2  }
0x140: {  	v58 =	vshll.u32 v2, $0x3  }
0x141: {  	v59 =	vand.u32 $0x7F, v2;
	v60 =	vand.u32 $0x400, v58;
	[tilespmem:$0x4440] =	vst v0  }
0x142: {  	v0 =	vor.u32 v60, v59;
	v1 =	vld.idx.msk [tilespmem:v1+s3+$0x0], $0xffff  }
0x143: {  	v0 =	vor.u32 v4, v0;
	_ =	sdelay $0x1  }
0x144: {  	v61 =	vadd.s32 s4, v3  }
0x145: {  	v3 =	vshll.u32 v61, $0x3  }
0x146: {  	v62 =	vand.u32 $0x7F, v61;
	v63 =	vand.u32 $0x400, v3;
	[tilespmem:$0x4450] =	vst v1  }
0x147: {  	v1 =	vor.u32 v63, v62;
	v0 =	vld.idx.msk [tilespmem:v0+s3+$0x0], $0xffff  }
0x148: {  	v1 =	vor.u32 v4, v1;
	_ =	sdelay $0x3  }
0x149: {  	[tilespmem:$0x4460] =	vst v0  }
0x14a: {  	v0 =	vld.idx.msk [tilespmem:v1+s3+$0x0], $0xffff;
	_ =	sdelay $0x4  }
0x14b: {  	s30 =	simm.s32 $0x4440;
	s29 =	sadd.s32 $0x38, s7;
	s31 =	simm.s32 $0xA;
	[tilespmem:$0x4470] =	vst v0  }
0x14c: {  	[hbm4b:s29+s2] =	stream.linear.scatter [tilespmem:s30], [sflag:$0xA], $0x40, $0x38;
	[tilespmem:$0x4480] =	vst v63  }
0x14d: {  	_ =	swait.ge [sflag:s31], $0x40  }
0x14e: {  	[sflag:s31] =	ssyncset.done $0x0  }
0x14f: {  	[sflag:s31] =	ssyncadd.s32 $0xFFFFFFC0  }
0x150: {  	_ =	swait.ge [sflag:s31], $0x40  }
0x151: {  	[sflag:s31] =	ssyncset.done $0x0  }
0x152: {  	[sflag:s31] =	ssyncadd.s32 $0xFFFFFFC0  }
0x153: {  	_ =	swait.ge [sflag:s31], $0x40  }
0x154: {  	[sflag:s31] =	ssyncset.done $0x0  }
0x155: {  	[sflag:s31] =	ssyncadd.s32 $0xFFFFFFC0  }
0x156: {  	_ =	swait.ge [sflag:s31], $0x40  }
0x157: {  	[sflag:s31] =	ssyncset.done $0x0  }
0x158: {  	[sflag:s31] =	ssyncadd.s32 $0xFFFFFFC0  }
0x159: {  	_ =	swait.ge [sflag:s31], $0x40  }
0x15a: {  	[sflag:s31] =	ssyncset.done $0x0  }
0x15b: {  	[sflag:s31] =	ssyncadd.s32 $0xFFFFFFC0  }
0x15c: {  	_ =	swait.ge [sflag:s31], $0x40  }
0x15d: {  	[sflag:s31] =	ssyncset.done $0x0  }
0x15e: {  	[sflag:s31] =	ssyncadd.s32 $0xFFFFFFC0  }
0x15f: {  	_ =	swait.ge [sflag:s31], $0x40  }
0x160: {  	[sflag:s31] =	ssyncset.done $0x0  }
0x161: {  	[sflag:s31] =	ssyncadd.s32 $0xFFFFFFC0  }
0x162: {  	_ =	swait.ge [sflag:s31], $0x40  }
0x163: {  	[sflag:s31] =	ssyncset.done $0x0  }
0x164: {  	[sflag:s31] =	ssyncadd.s32 $0xFFFFFFC0  }
0x165: {  	_ =	sfence.sel $0x180000  }
0x166: {  	[bflag:$0x0] =	sbarrier.arrive $0xFFFF  }
0x167: {  	p0 =	sne.s32 s1, $0x0;
	_ =	strace $0x90000047  }
0x168: {  	s0 =	sadd.s32 @!p0 $0x100000, s0;
	[bflag:$0x2] =	sbarrier.arrive $0xFFFF  }
0x169: {  	[sflag:s0] =	ssyncadd.tile.s32 @!p0 $0x1;
	_ =	shalt  }
.Lfunc_end2:
_tile_overlayer_lowered:
.L_overlay_start_2:
0x16a: {  	(tag) =	ssettag $0x2  }
0x16b: {  	s0 =	rddreg [dreg:$0x0];
	s2 =	stileid.u32  }
0x16c: {  	s1 =	rddreg [dreg:$0x1];
	p0 =	sne.s32 s2, $0x0  }
0x16d: {  	s3 =	rddreg [dreg:$0x2];
	[bflag:$0x3] =	sbarrier.arrive $0xFFFF;
	s2 =	simm.s32 @!p0 $0x1C0B  }
0x16e: {  	[timem:s3], [sflag:s2] =	dma.local @!p0 [hbm:s0], s1  }
0x16f: {  	s0 =	simm.s32 @!p0 $0xB  }
0x170: {  	_ =	swait.ge @!p0 [sflag:s0], s1  }
0x171: {  	s1 =	ssub.s32 @!p0 $0x0, s1;
	[sflag:s0] =	ssyncset.done @!p0 $0x0  }
0x172: {  	[sflag:s0] =	ssyncadd.s32 @!p0 s1  }
0x173: {  	[bflag:$0x3] =	sbarrier.arrive $0xFFFF  }
0x174: {  	_ =	shalt  }

</sc_bundles>
